<compile_context>
chip_gen: v7x
topology: tpu7x:2x2x1
jax: 0.10.2.dev20260603
libtpu: 0.0.44.dev20260713+nightly
codegen_flags: <defaults>
</compile_context>

<pallas_src>
import functools

import jax
import jax.numpy as jnp
from jax import lax
from jax.experimental import pallas as pl
from jax.experimental.pallas import tpu as pltpu
from jax.experimental.pallas import tpu_sc as plsc

N_NODES = 10000
N_EDGES = 320000
D = 128
DW = 64
L = 16

_info = plsc.get_sparse_core_info()
NC = _info.num_cores
NS = _info.num_subcores
NW = NC * NS
EDGES_PER_WORKER = N_EDGES // NW
CHUNK = 80
NCHUNKS = EDGES_PER_WORKER // CHUNK
NBUF = 4


ROWS_PER_TILE = N_NODES // NS


def _sc_body(ep_hbm, h_hbm, out_hbm,
             pr_s, pr_d, rows_s, rows_d, outb, h_sp, sem_g, sem_o):
    sid = lax.axis_index("s")
    wid = sid * NC + lax.axis_index("c")
    base0 = wid * EDGES_PER_WORKER

    r0 = sid * ROWS_PER_TILE
    pltpu.sync_copy(h_hbm.at[pl.ds(r0, ROWS_PER_TILE)],
                    h_sp.at[pl.ds(r0, ROWS_PER_TILE)])

    pltpu.sync_copy(ep_hbm.at[0, pl.ds(base0, EDGES_PER_WORKER)], pr_s)
    pltpu.sync_copy(ep_hbm.at[1, pl.ds(base0, EDGES_PER_WORKER)], pr_d)
    plsc.subcore_barrier()

    lane = lax.iota(jnp.int32, L)

    def start_gather(i, b):
        sl = pl.ds(i * CHUNK, CHUNK)
        pltpu.async_copy(h_sp.at[pr_s.at[sl]], rows_s.at[b], sem_g.at[b])
        pltpu.async_copy(h_sp.at[pr_d.at[sl]], rows_d.at[b], sem_g.at[b])

    def wait_gather(i, b):
        sl = pl.ds(i * CHUNK, CHUNK)
        pltpu.make_async_copy(h_sp.at[pr_s.at[sl]], rows_s.at[b],
                              sem_g.at[b]).wait()
        pltpu.make_async_copy(h_sp.at[pr_d.at[sl]], rows_d.at[b],
                              sem_g.at[b]).wait()

    def wait_out(i, b):
        pltpu.make_async_copy(
            outb.at[b], out_hbm.at[pl.ds(base0 + i * CHUNK, CHUNK)],
            sem_o.at[b]).wait()

    for pre in range(NBUF - 1):
        start_gather(pre, pre)

    def chunk_body(i, carry):
        b = i % NBUF

        @pl.when(i + NBUF - 1 < NCHUNKS)
        def _():
            start_gather(i + NBUF - 1, (i + NBUF - 1) % NBUF)

        wait_gather(i, b)

        @pl.when(i >= NBUF)
        def _():
            wait_out(i - NBUF, b)

        def group_body(g, c):
            e0 = g * L

            def edge_body(j, scores):
                e = e0 + j
                acc_h = jnp.zeros((L,), jnp.float32)
                acc_l = jnp.zeros((L,), jnp.float32)
                for k in range(DW // L):
                    x = rows_s[b, e, pl.ds(k * L, L)]
                    y = rows_d[b, e, pl.ds(k * L, L)]
                    p = plsc.bitcast(
                        plsc.bitcast(x, jnp.bfloat16)
                        * plsc.bitcast(y, jnp.bfloat16), jnp.int32)
                    acc_h = acc_h + plsc.bitcast(p, jnp.float32)
                    acc_l = acc_l + plsc.bitcast(p << 16, jnp.float32)
                return jnp.where(lane == j, jnp.sum(acc_h + acc_l), scores)

            scores = lax.fori_loop(0, L, edge_body,
                                   jnp.zeros((L,), jnp.float32), unroll=2)
            outb[b, pl.ds(e0, L)] = scores
            return c

        for g in range(CHUNK // L):
            group_body(g, 0)
        pltpu.async_copy(outb.at[b],
                         out_hbm.at[pl.ds(base0 + i * CHUNK, CHUNK)],
                         sem_o.at[b])
        return carry

    lax.fori_loop(0, NCHUNKS, chunk_body, 0)
    for r in range(NBUF):
        i = NCHUNKS - NBUF + r
        wait_out(i, i % NBUF)


@jax.jit
def _sc_dot(ep, hw):
    mesh = plsc.VectorSubcoreMesh(core_axis_name="c", subcore_axis_name="s")
    f = functools.partial(
        pl.kernel,
        mesh=mesh,
        compiler_params=pltpu.CompilerParams(needs_layout_passes=False,
                                             use_tc_tiling_on_sc=False),
        out_type=jax.ShapeDtypeStruct((N_EDGES,), jnp.float32),
        scratch_types=[
            pltpu.VMEM((EDGES_PER_WORKER,), jnp.int32),
            pltpu.VMEM((EDGES_PER_WORKER,), jnp.int32),
            pltpu.VMEM((NBUF, CHUNK, DW), jnp.int32),
            pltpu.VMEM((NBUF, CHUNK, DW), jnp.int32),
            pltpu.VMEM((NBUF, CHUNK), jnp.float32),
            pltpu.VMEM_SHARED((N_NODES, DW), jnp.int32),
            pltpu.SemaphoreType.DMA((NBUF,)),
            pltpu.SemaphoreType.DMA((NBUF,)),
        ],
    )(_sc_body)
    return f(ep, hw)


def kernel(h, edge_index):
    ep = edge_index.astype(jnp.int32)
    u = lax.bitcast_convert_type(h, jnp.uint32)
    r = (u + jnp.uint32(0x7FFF) + ((u >> 16) & jnp.uint32(1))) >> 16
    hw = lax.bitcast_convert_type(r[:, :DW] | (r[:, DW:] << 16), jnp.int32)
    return _sc_dot(ep, hw).reshape(N_EDGES, 1)

# --- scband reference (transcript-rebuilt; emitter-appended) ---
"""Pipeline reference for scband-hetero-score-predictor-6133213298979 (READ-ONLY COPY).

The authoritative reference and input builder live on the scoring server;
editing this copy changes nothing except your own understanding.
"""

import jax, jax.numpy as jnp
import numpy as np

N_NODES = 10000
N_EDGES = 320000
D_FEAT = 128

def setup_inputs(seed: int = 0) -> dict:
    key = jax.random.key(seed)
    k1, k2 = jax.random.split(key)
    h = jax.random.normal(k1, (N_NODES, D_FEAT), dtype=jnp.float32)
    edge_index = jax.random.randint(k2, (2, N_EDGES), 0, N_NODES, dtype=jnp.int32).astype(jnp.int64)
    return {"h": h, "edge_index": edge_index}

def reference(h, edge_index):
    # DGL u_dot_v('s','s','score'): per-edge dot product of src and dst node features.
    src = edge_index[0]
    dst = edge_index[1]
    h_u = jnp.take(h, src, axis=0)   # gather src node features [E, D]
    h_v = jnp.take(h, dst, axis=0)   # gather dst node features [E, D]
    score = jnp.sum(h_u * h_v, axis=-1, keepdims=True)  # [E, 1], matches DGL edata['score'] shape
    return score

if __name__ == "__main__":
    import jax
    _d = setup_inputs()
    print(jax.jit(kernel)(*tuple(_d.values())))

</pallas_src>

<mosaic_0001>
#map = affine_map<(d0, d1) -> (0, 0)>
#map1 = affine_map<(d0, d1) -> (0)>
module attributes {stable_mosaic.version = 14 : i64} {
  func.func @_sc_body(%arg0: i32, %arg1: i32, %arg2: memref<2x320000xi32, #tpu.memory_space<hbm>>, %arg3: memref<10000x64xi32, #tpu.memory_space<hbm>>, %arg4: memref<320000xf32, #tpu.memory_space<hbm>>, %arg5: memref<10000xi32, #tpu.memory_space<vmem>>, %arg6: memref<10000xi32, #tpu.memory_space<vmem>>, %arg7: memref<4x80x64xi32, #tpu.memory_space<vmem>>, %arg8: memref<4x80x64xi32, #tpu.memory_space<vmem>>, %arg9: memref<4x80xf32, #tpu.memory_space<vmem>>, %arg10: memref<10000x64xi32, #tpu.memory_space<vmem_shared>>, %arg11: memref<4x!tpu.dma_semaphore, #tpu.memory_space<semaphore_mem>>, %arg12: memref<4x!tpu.dma_semaphore, #tpu.memory_space<semaphore_mem>>) attributes {dimension_semantics = [#tpu.dimension_semantics<core_parallel>, #tpu.dimension_semantics<subcore_parallel>], iteration_bounds = array<i64: 2, 16>, scalar_prefetch = 0 : i64, scratch_operands = 8 : i64, tpu.core_type = #tpu.core_type<sc_vector_subcore>, window_params = [{transform_indices = #map}, {transform_indices = #map}, {transform_indices = #map1}]} {
    %mul3A = arith.constant 2 : i32
    %mul3A_0 = arith.muli %arg1, %mul3A : i32
    %add3A = arith.addi %mul3A_0, %arg0 : i32
    %mul3A_1 = arith.constant 10000 : i32
    %mul3A_2 = arith.muli %add3A, %mul3A_1 : i32
    %mul3A_3 = arith.constant 625 : i32
    %mul3A_4 = arith.muli %arg1, %mul3A_3 : i32
    "tpu.region"() ({
      %run_scoped3A_143 = tpu.sem_alloc : memref<!tpu.dma_semaphore, #tpu.memory_space<semaphore_mem>>
      %dma_start3A_144 = arith.constant 0 : i32
      %dma_start3A_145 = tpu.memref_slice %arg10[%mul3A_4, %dma_start3A_144] : memref<10000x64xi32, #tpu.memory_space<vmem_shared>> -> memref<625x64xi32, #tpu.memory_space<vmem_shared>>
      %dma_start3A_146 = arith.constant 0 : i32
      %dma_start3A_147 = tpu.memref_slice %arg3[%mul3A_4, %dma_start3A_146] : memref<10000x64xi32, #tpu.memory_space<hbm>> -> memref<625x64xi32, #tpu.memory_space<hbm>>
      tpu.enqueue_dma source(%dma_start3A_147 : memref<625x64xi32, #tpu.memory_space<hbm>>) target(%dma_start3A_145 : memref<625x64xi32, #tpu.memory_space<vmem_shared>>) target_semaphore(%run_scoped3A_143 : memref<!tpu.dma_semaphore, #tpu.memory_space<semaphore_mem>>)
      %dma_wait3A_148 = arith.constant 0 : i32
      %dma_wait3A_149 = tpu.memref_slice %arg10[%mul3A_4, %dma_wait3A_148] : memref<10000x64xi32, #tpu.memory_space<vmem_shared>> -> memref<625x64xi32, #tpu.memory_space<vmem_shared>>
      %dma_wait3A_150 = arith.constant 0 : i32
      %dma_wait3A_151 = tpu.memref_slice %arg3[%mul3A_4, %dma_wait3A_150] : memref<10000x64xi32, #tpu.memory_space<hbm>> -> memref<625x64xi32, #tpu.memory_space<hbm>>
      tpu.wait_dma2 semaphore(%run_scoped3A_143 : memref<!tpu.dma_semaphore, #tpu.memory_space<semaphore_mem>>) src(%dma_wait3A_151 : memref<625x64xi32, #tpu.memory_space<hbm>>) dst(%dma_wait3A_149 : memref<625x64xi32, #tpu.memory_space<vmem_shared>>)
      tpu.yield
    }) : () -> ()
    %run_scoped3A = arith.constant 0 : i32
    "tpu.region"() ({
      %run_scoped3A_143 = tpu.sem_alloc : memref<!tpu.dma_semaphore, #tpu.memory_space<semaphore_mem>>
      %dma_start3A_144 = tpu.memref_slice %arg2[%run_scoped3A, %mul3A_2] : memref<2x320000xi32, #tpu.memory_space<hbm>> -> memref<1x10000xi32, #tpu.memory_space<hbm>>
      %dma_start3A_145 = tpu.memref_squeeze %dma_start3A_144 : memref<1x10000xi32, #tpu.memory_space<hbm>> -> memref<10000xi32, #tpu.memory_space<hbm>>
      %dma_start3A_146 = tpu.memref_slice %arg2[%run_scoped3A, %mul3A_2] : memref<2x320000xi32, #tpu.memory_space<hbm>> -> memref<1x10000xi32, #tpu.memory_space<hbm>>
      %dma_start3A_147 = tpu.memref_squeeze %dma_start3A_146 : memref<1x10000xi32, #tpu.memory_space<hbm>> -> memref<10000xi32, #tpu.memory_space<hbm>>
      tpu.enqueue_dma source(%dma_start3A_147 : memref<10000xi32, #tpu.memory_space<hbm>>) target(%arg5 : memref<10000xi32, #tpu.memory_space<vmem>>) target_semaphore(%run_scoped3A_143 : memref<!tpu.dma_semaphore, #tpu.memory_space<semaphore_mem>>)
      %dma_wait3A_148 = tpu.memref_slice %arg2[%run_scoped3A, %mul3A_2] : memref<2x320000xi32, #tpu.memory_space<hbm>> -> memref<1x10000xi32, #tpu.memory_space<hbm>>
      %dma_wait3A_149 = tpu.memref_squeeze %dma_wait3A_148 : memref<1x10000xi32, #tpu.memory_space<hbm>> -> memref<10000xi32, #tpu.memory_space<hbm>>
      %dma_wait3A_150 = tpu.memref_slice %arg2[%run_scoped3A, %mul3A_2] : memref<2x320000xi32, #tpu.memory_space<hbm>> -> memref<1x10000xi32, #tpu.memory_space<hbm>>
      %dma_wait3A_151 = tpu.memref_squeeze %dma_wait3A_150 : memref<1x10000xi32, #tpu.memory_space<hbm>> -> memref<10000xi32, #tpu.memory_space<hbm>>
      tpu.wait_dma2 semaphore(%run_scoped3A_143 : memref<!tpu.dma_semaphore, #tpu.memory_space<semaphore_mem>>) src(%dma_wait3A_151 : memref<10000xi32, #tpu.memory_space<hbm>>) dst(%arg5 : memref<10000xi32, #tpu.memory_space<vmem>>)
      tpu.yield
    }) : () -> ()
    %run_scoped3A_5 = arith.constant 1 : i32
    "tpu.region"() ({
      %run_scoped3A_143 = tpu.sem_alloc : memref<!tpu.dma_semaphore, #tpu.memory_space<semaphore_mem>>
      %dma_start3A_144 = tpu.memref_slice %arg2[%run_scoped3A_5, %mul3A_2] : memref<2x320000xi32, #tpu.memory_space<hbm>> -> memref<1x10000xi32, #tpu.memory_space<hbm>>
      %dma_start3A_145 = tpu.memref_squeeze %dma_start3A_144 : memref<1x10000xi32, #tpu.memory_space<hbm>> -> memref<10000xi32, #tpu.memory_space<hbm>>
      %dma_start3A_146 = tpu.memref_slice %arg2[%run_scoped3A_5, %mul3A_2] : memref<2x320000xi32, #tpu.memory_space<hbm>> -> memref<1x10000xi32, #tpu.memory_space<hbm>>
      %dma_start3A_147 = tpu.memref_squeeze %dma_start3A_146 : memref<1x10000xi32, #tpu.memory_space<hbm>> -> memref<10000xi32, #tpu.memory_space<hbm>>
      tpu.enqueue_dma source(%dma_start3A_147 : memref<10000xi32, #tpu.memory_space<hbm>>) target(%arg6 : memref<10000xi32, #tpu.memory_space<vmem>>) target_semaphore(%run_scoped3A_143 : memref<!tpu.dma_semaphore, #tpu.memory_space<semaphore_mem>>)
      %dma_wait3A_148 = tpu.memref_slice %arg2[%run_scoped3A_5, %mul3A_2] : memref<2x320000xi32, #tpu.memory_space<hbm>> -> memref<1x10000xi32, #tpu.memory_space<hbm>>
      %dma_wait3A_149 = tpu.memref_squeeze %dma_wait3A_148 : memref<1x10000xi32, #tpu.memory_space<hbm>> -> memref<10000xi32, #tpu.memory_space<hbm>>
      %dma_wait3A_150 = tpu.memref_slice %arg2[%run_scoped3A_5, %mul3A_2] : memref<2x320000xi32, #tpu.memory_space<hbm>> -> memref<1x10000xi32, #tpu.memory_space<hbm>>
      %dma_wait3A_151 = tpu.memref_squeeze %dma_wait3A_150 : memref<1x10000xi32, #tpu.memory_space<hbm>> -> memref<10000xi32, #tpu.memory_space<hbm>>
      tpu.wait_dma2 semaphore(%run_scoped3A_143 : memref<!tpu.dma_semaphore, #tpu.memory_space<semaphore_mem>>) src(%dma_wait3A_151 : memref<10000xi32, #tpu.memory_space<hbm>>) dst(%arg6 : memref<10000xi32, #tpu.memory_space<vmem>>)
      tpu.yield
    }) : () -> ()
    %barrier3A = arith.constant 0 : index
    tpu.barrier barrier_id(%barrier3A)
    %iota3A = tpu.iota {dimensions = array<i32: 0>} : vector<16xi32>
    %dma_start3A = arith.constant 0 : i32
    %dma_start3A_6 = arith.constant 0 : i32
    %dma_start3A_7 = arith.constant 0 : i32
    %dma_start3A_8 = arith.constant 0 : i32
    %dma_start3A_9 = tpu.memref_slice %arg7[%dma_start3A, %dma_start3A_7, %dma_start3A_8] : memref<4x80x64xi32, #tpu.memory_space<vmem>> -> memref<1x80x64xi32, #tpu.memory_space<vmem>>
    %dma_start3A_10 = tpu.memref_squeeze %dma_start3A_9 : memref<1x80x64xi32, #tpu.memory_space<vmem>> -> memref<80x64xi32, #tpu.memory_space<vmem>>
    %dma_start3A_11 = arith.constant 0 : i32
    %dma_start3A_12 = tpu.memref_slice %arg5[%dma_start3A_11] : memref<10000xi32, #tpu.memory_space<vmem>> -> memref<80xi32, #tpu.memory_space<vmem>>
    %dma_start3A_13 = arith.constant 0 : i32
    %dma_start3A_14 = arith.constant 0 : i32
    %dma_start3A_15 = tpu.memref_slice %arg10[%dma_start3A_13, %dma_start3A_14] : memref<10000x64xi32, #tpu.memory_space<vmem_shared>> -> memref<10000x64xi32, #tpu.memory_space<vmem_shared>>
    %dma_start3A_16 = tpu.memref_slice %arg11[%dma_start3A_6] : memref<4x!tpu.dma_semaphore, #tpu.memory_space<semaphore_mem>> -> memref<1x!tpu.dma_semaphore, #tpu.memory_space<semaphore_mem>>
    %dma_start3A_17 = tpu.memref_squeeze %dma_start3A_16 : memref<1x!tpu.dma_semaphore, #tpu.memory_space<semaphore_mem>> -> memref<!tpu.dma_semaphore, #tpu.memory_space<semaphore_mem>>
    tpu.enqueue_indirect_dma source(%dma_start3A_15 : memref<10000x64xi32, #tpu.memory_space<vmem_shared>>) target(%dma_start3A_10 : memref<80x64xi32, #tpu.memory_space<vmem>>) offsets(%dma_start3A_12 : memref<80xi32, #tpu.memory_space<vmem>>) semaphore(%dma_start3A_17 : memref<!tpu.dma_semaphore, #tpu.memory_space<semaphore_mem>>)
    %dma_start3A_18 = arith.constant 0 : i32
    %dma_start3A_19 = arith.constant 0 : i32
    %dma_start3A_20 = arith.constant 0 : i32
    %dma_start3A_21 = arith.constant 0 : i32
    %dma_start3A_22 = tpu.memref_slice %arg8[%dma_start3A_18, %dma_start3A_20, %dma_start3A_21] : memref<4x80x64xi32, #tpu.memory_space<vmem>> -> memref<1x80x64xi32, #tpu.memory_space<vmem>>
    %dma_start3A_23 = tpu.memref_squeeze %dma_start3A_22 : memref<1x80x64xi32, #tpu.memory_space<vmem>> -> memref<80x64xi32, #tpu.memory_space<vmem>>
    %dma_start3A_24 = arith.constant 0 : i32
    %dma_start3A_25 = tpu.memref_slice %arg6[%dma_start3A_24] : memref<10000xi32, #tpu.memory_space<vmem>> -> memref<80xi32, #tpu.memory_space<vmem>>
    %dma_start3A_26 = arith.constant 0 : i32
    %dma_start3A_27 = arith.constant 0 : i32
    %dma_start3A_28 = tpu.memref_slice %arg10[%dma_start3A_26, %dma_start3A_27] : memref<10000x64xi32, #tpu.memory_space<vmem_shared>> -> memref<10000x64xi32, #tpu.memory_space<vmem_shared>>
    %dma_start3A_29 = tpu.memref_slice %arg11[%dma_start3A_19] : memref<4x!tpu.dma_semaphore, #tpu.memory_space<semaphore_mem>> -> memref<1x!tpu.dma_semaphore, #tpu.memory_space<semaphore_mem>>
    %dma_start3A_30 = tpu.memref_squeeze %dma_start3A_29 : memref<1x!tpu.dma_semaphore, #tpu.memory_space<semaphore_mem>> -> memref<!tpu.dma_semaphore, #tpu.memory_space<semaphore_mem>>
    tpu.enqueue_indirect_dma source(%dma_start3A_28 : memref<10000x64xi32, #tpu.memory_space<vmem_shared>>) target(%dma_start3A_23 : memref<80x64xi32, #tpu.memory_space<vmem>>) offsets(%dma_start3A_25 : memref<80xi32, #tpu.memory_space<vmem>>) semaphore(%dma_start3A_30 : memref<!tpu.dma_semaphore, #tpu.memory_space<semaphore_mem>>)
    %dma_start3A_31 = arith.constant 1 : i32
    %dma_start3A_32 = arith.constant 1 : i32
    %dma_start3A_33 = arith.constant 0 : i32
    %dma_start3A_34 = arith.constant 0 : i32
    %dma_start3A_35 = tpu.memref_slice %arg7[%dma_start3A_31, %dma_start3A_33, %dma_start3A_34] : memref<4x80x64xi32, #tpu.memory_space<vmem>> -> memref<1x80x64xi32, #tpu.memory_space<vmem>>
    %dma_start3A_36 = tpu.memref_squeeze %dma_start3A_35 : memref<1x80x64xi32, #tpu.memory_space<vmem>> -> memref<80x64xi32, #tpu.memory_space<vmem>>
    %dma_start3A_37 = arith.constant 80 : i32
    %dma_start3A_38 = tpu.memref_slice %arg5[%dma_start3A_37] : memref<10000xi32, #tpu.memory_space<vmem>> -> memref<80xi32, #tpu.memory_space<vmem>>
    %dma_start3A_39 = arith.constant 0 : i32
    %dma_start3A_40 = arith.constant 0 : i32
    %dma_start3A_41 = tpu.memref_slice %arg10[%dma_start3A_39, %dma_start3A_40] : memref<10000x64xi32, #tpu.memory_space<vmem_shared>> -> memref<10000x64xi32, #tpu.memory_space<vmem_shared>>
    %dma_start3A_42 = tpu.memref_slice %arg11[%dma_start3A_32] : memref<4x!tpu.dma_semaphore, #tpu.memory_space<semaphore_mem>> -> memref<1x!tpu.dma_semaphore, #tpu.memory_space<semaphore_mem>>
    %dma_start3A_43 = tpu.memref_squeeze %dma_start3A_42 : memref<1x!tpu.dma_semaphore, #tpu.memory_space<semaphore_mem>> -> memref<!tpu.dma_semaphore, #tpu.memory_space<semaphore_mem>>
    tpu.enqueue_indirect_dma source(%dma_start3A_41 : memref<10000x64xi32, #tpu.memory_space<vmem_shared>>) target(%dma_start3A_36 : memref<80x64xi32, #tpu.memory_space<vmem>>) offsets(%dma_start3A_38 : memref<80xi32, #tpu.memory_space<vmem>>) semaphore(%dma_start3A_43 : memref<!tpu.dma_semaphore, #tpu.memory_space<semaphore_mem>>)
    %dma_start3A_44 = arith.constant 1 : i32
    %dma_start3A_45 = arith.constant 1 : i32
    %dma_start3A_46 = arith.constant 0 : i32
    %dma_start3A_47 = arith.constant 0 : i32
    %dma_start3A_48 = tpu.memref_slice %arg8[%dma_start3A_44, %dma_start3A_46, %dma_start3A_47] : memref<4x80x64xi32, #tpu.memory_space<vmem>> -> memref<1x80x64xi32, #tpu.memory_space<vmem>>
    %dma_start3A_49 = tpu.memref_squeeze %dma_start3A_48 : memref<1x80x64xi32, #tpu.memory_space<vmem>> -> memref<80x64xi32, #tpu.memory_space<vmem>>
    %dma_start3A_50 = arith.constant 80 : i32
    %dma_start3A_51 = tpu.memref_slice %arg6[%dma_start3A_50] : memref<10000xi32, #tpu.memory_space<vmem>> -> memref<80xi32, #tpu.memory_space<vmem>>
    %dma_start3A_52 = arith.constant 0 : i32
    %dma_start3A_53 = arith.constant 0 : i32
    %dma_start3A_54 = tpu.memref_slice %arg10[%dma_start3A_52, %dma_start3A_53] : memref<10000x64xi32, #tpu.memory_space<vmem_shared>> -> memref<10000x64xi32, #tpu.memory_space<vmem_shared>>
    %dma_start3A_55 = tpu.memref_slice %arg11[%dma_start3A_45] : memref<4x!tpu.dma_semaphore, #tpu.memory_space<semaphore_mem>> -> memref<1x!tpu.dma_semaphore, #tpu.memory_space<semaphore_mem>>
    %dma_start3A_56 = tpu.memref_squeeze %dma_start3A_55 : memref<1x!tpu.dma_semaphore, #tpu.memory_space<semaphore_mem>> -> memref<!tpu.dma_semaphore, #tpu.memory_space<semaphore_mem>>
    tpu.enqueue_indirect_dma source(%dma_start3A_54 : memref<10000x64xi32, #tpu.memory_space<vmem_shared>>) target(%dma_start3A_49 : memref<80x64xi32, #tpu.memory_space<vmem>>) offsets(%dma_start3A_51 : memref<80xi32, #tpu.memory_space<vmem>>) semaphore(%dma_start3A_56 : memref<!tpu.dma_semaphore, #tpu.memory_space<semaphore_mem>>)
    %dma_start3A_57 = arith.constant 2 : i32
    %dma_start3A_58 = arith.constant 2 : i32
    %dma_start3A_59 = arith.constant 0 : i32
    %dma_start3A_60 = arith.constant 0 : i32
    %dma_start3A_61 = tpu.memref_slice %arg7[%dma_start3A_57, %dma_start3A_59, %dma_start3A_60] : memref<4x80x64xi32, #tpu.memory_space<vmem>> -> memref<1x80x64xi32, #tpu.memory_space<vmem>>
    %dma_start3A_62 = tpu.memref_squeeze %dma_start3A_61 : memref<1x80x64xi32, #tpu.memory_space<vmem>> -> memref<80x64xi32, #tpu.memory_space<vmem>>
    %dma_start3A_63 = arith.constant 160 : i32
    %dma_start3A_64 = tpu.memref_slice %arg5[%dma_start3A_63] : memref<10000xi32, #tpu.memory_space<vmem>> -> memref<80xi32, #tpu.memory_space<vmem>>
    %dma_start3A_65 = arith.constant 0 : i32
    %dma_start3A_66 = arith.constant 0 : i32
    %dma_start3A_67 = tpu.memref_slice %arg10[%dma_start3A_65, %dma_start3A_66] : memref<10000x64xi32, #tpu.memory_space<vmem_shared>> -> memref<10000x64xi32, #tpu.memory_space<vmem_shared>>
    %dma_start3A_68 = tpu.memref_slice %arg11[%dma_start3A_58] : memref<4x!tpu.dma_semaphore, #tpu.memory_space<semaphore_mem>> -> memref<1x!tpu.dma_semaphore, #tpu.memory_space<semaphore_mem>>
    %dma_start3A_69 = tpu.memref_squeeze %dma_start3A_68 : memref<1x!tpu.dma_semaphore, #tpu.memory_space<semaphore_mem>> -> memref<!tpu.dma_semaphore, #tpu.memory_space<semaphore_mem>>
    tpu.enqueue_indirect_dma source(%dma_start3A_67 : memref<10000x64xi32, #tpu.memory_space<vmem_shared>>) target(%dma_start3A_62 : memref<80x64xi32, #tpu.memory_space<vmem>>) offsets(%dma_start3A_64 : memref<80xi32, #tpu.memory_space<vmem>>) semaphore(%dma_start3A_69 : memref<!tpu.dma_semaphore, #tpu.memory_space<semaphore_mem>>)
    %dma_start3A_70 = arith.constant 2 : i32
    %dma_start3A_71 = arith.constant 2 : i32
    %dma_start3A_72 = arith.constant 0 : i32
    %dma_start3A_73 = arith.constant 0 : i32
    %dma_start3A_74 = tpu.memref_slice %arg8[%dma_start3A_70, %dma_start3A_72, %dma_start3A_73] : memref<4x80x64xi32, #tpu.memory_space<vmem>> -> memref<1x80x64xi32, #tpu.memory_space<vmem>>
    %dma_start3A_75 = tpu.memref_squeeze %dma_start3A_74 : memref<1x80x64xi32, #tpu.memory_space<vmem>> -> memref<80x64xi32, #tpu.memory_space<vmem>>
    %dma_start3A_76 = arith.constant 160 : i32
    %dma_start3A_77 = tpu.memref_slice %arg6[%dma_start3A_76] : memref<10000xi32, #tpu.memory_space<vmem>> -> memref<80xi32, #tpu.memory_space<vmem>>
    %dma_start3A_78 = arith.constant 0 : i32
    %dma_start3A_79 = arith.constant 0 : i32
    %dma_start3A_80 = tpu.memref_slice %arg10[%dma_start3A_78, %dma_start3A_79] : memref<10000x64xi32, #tpu.memory_space<vmem_shared>> -> memref<10000x64xi32, #tpu.memory_space<vmem_shared>>
    %dma_start3A_81 = tpu.memref_slice %arg11[%dma_start3A_71] : memref<4x!tpu.dma_semaphore, #tpu.memory_space<semaphore_mem>> -> memref<1x!tpu.dma_semaphore, #tpu.memory_space<semaphore_mem>>
    %dma_start3A_82 = tpu.memref_squeeze %dma_start3A_81 : memref<1x!tpu.dma_semaphore, #tpu.memory_space<semaphore_mem>> -> memref<!tpu.dma_semaphore, #tpu.memory_space<semaphore_mem>>
    tpu.enqueue_indirect_dma source(%dma_start3A_80 : memref<10000x64xi32, #tpu.memory_space<vmem_shared>>) target(%dma_start3A_75 : memref<80x64xi32, #tpu.memory_space<vmem>>) offsets(%dma_start3A_77 : memref<80xi32, #tpu.memory_space<vmem>>) semaphore(%dma_start3A_82 : memref<!tpu.dma_semaphore, #tpu.memory_space<semaphore_mem>>)
    %scan3A = arith.constant 0 : i32
    %scan3A_83 = arith.constant 0 : i32
    %scan3A_84 = arith.constant 125 : i32
    %scan3A_85 = arith.addi %scan3A_83, %scan3A_84 : i32
    %scan3A_86 = arith.constant 1 : i32
    scf.for %scan3A_143 = %scan3A_83 to %scan3A_85 step %scan3A_86  : i32 {
      %jit3A = arith.constant 4 : i32
      %eq3A = arith.constant 0 : i32
      %eq3A_144 = arith.cmpi eq, %jit3A, %eq3A : i32
      %jit3A_145 = arith.constant 1 : i32
      %select_n3A = arith.select %eq3A_144, %jit3A_145, %jit3A : i32
      %rem3A = arith.remsi %scan3A_143, %select_n3A : i32
      %ne3A = arith.constant 0 : i32
      %ne3A_146 = arith.cmpi ne, %rem3A, %ne3A : i32
      %lt3A = arith.constant 0 : i32
      %lt3A_147 = arith.cmpi slt, %rem3A, %lt3A : i32
      %lt3A_148 = arith.constant 0 : i32
      %lt3A_149 = arith.cmpi slt, %select_n3A, %lt3A_148 : i32
      %ne3A_150 = arith.xori %lt3A_147, %lt3A_149 : i1
      %and3A = arith.andi %ne3A_150, %ne3A_146 : i1
      %add3A_151 = arith.addi %rem3A, %select_n3A : i32
      %select_n3A_152 = arith.select %and3A, %add3A_151, %rem3A : i32
      %add3A_153 = arith.constant 4 : i32
      %add3A_154 = arith.addi %scan3A_143, %add3A_153 : i32
      %sub3A = arith.constant 1 : i32
      %sub3A_155 = arith.subi %add3A_154, %sub3A : i32
      %lt3A_156 = arith.constant 125 : i32
      %lt3A_157 = arith.cmpi slt, %sub3A_155, %lt3A_156 : i32
      %convert_element_type3A = arith.extui %lt3A_157 : i1 to i32
      %cond3A = arith.constant 0 : i32
      %cond3A_158 = arith.cmpi ne, %convert_element_type3A, %cond3A : i32
      scf.if %cond3A_158 {
        %add3A_251 = arith.constant 4 : i32
        %add3A_252 = arith.addi %scan3A_143, %add3A_251 : i32
        %sub3A_253 = arith.constant 1 : i32
        %sub3A_254 = arith.subi %add3A_252, %sub3A_253 : i32
        %add3A_255 = arith.constant 4 : i32
        %add3A_256 = arith.addi %scan3A_143, %add3A_255 : i32
        %sub3A_257 = arith.constant 1 : i32
        %sub3A_258 = arith.subi %add3A_256, %sub3A_257 : i32
        %jit3A_259 = arith.constant 4 : i32
        %eq3A_260 = arith.constant 0 : i32
        %eq3A_261 = arith.cmpi eq, %jit3A_259, %eq3A_260 : i32
        %jit3A_262 = arith.constant 1 : i32
        %select_n3A_263 = arith.select %eq3A_261, %jit3A_262, %jit3A_259 : i32
        %rem3A_264 = arith.remsi %sub3A_258, %select_n3A_263 : i32
        %ne3A_265 = arith.constant 0 : i32
        %ne3A_266 = arith.cmpi ne, %rem3A_264, %ne3A_265 : i32
        %lt3A_267 = arith.constant 0 : i32
        %lt3A_268 = arith.cmpi slt, %rem3A_264, %lt3A_267 : i32
        %lt3A_269 = arith.constant 0 : i32
        %lt3A_270 = arith.cmpi slt, %select_n3A_263, %lt3A_269 : i32
        %ne3A_271 = arith.xori %lt3A_268, %lt3A_270 : i1
        %and3A_272 = arith.andi %ne3A_271, %ne3A_266 : i1
        %add3A_273 = arith.addi %rem3A_264, %select_n3A_263 : i32
        %select_n3A_274 = arith.select %and3A_272, %add3A_273, %rem3A_264 : i32
        %mul3A_275 = arith.constant 80 : i32
        %mul3A_276 = arith.muli %sub3A_254, %mul3A_275 : i32
        %dma_start3A_277 = arith.constant 0 : i32
        %dma_start3A_278 = arith.constant 0 : i32
        %dma_start3A_279 = tpu.memref_slice %arg7[%select_n3A_274, %dma_start3A_277, %dma_start3A_278] : memref<4x80x64xi32, #tpu.memory_space<vmem>> -> memref<1x80x64xi32, #tpu.memory_space<vmem>>
        %dma_start3A_280 = tpu.memref_squeeze %dma_start3A_279 : memref<1x80x64xi32, #tpu.memory_space<vmem>> -> memref<80x64xi32, #tpu.memory_space<vmem>>
        %dma_start3A_281 = tpu.memref_slice %arg5[%mul3A_276] : memref<10000xi32, #tpu.memory_space<vmem>> -> memref<80xi32, #tpu.memory_space<vmem>>
        %dma_start3A_282 = arith.constant 0 : i32
        %dma_start3A_283 = arith.constant 0 : i32
        %dma_start3A_284 = tpu.memref_slice %arg10[%dma_start3A_282, %dma_start3A_283] : memref<10000x64xi32, #tpu.memory_space<vmem_shared>> -> memref<10000x64xi32, #tpu.memory_space<vmem_shared>>
        %dma_start3A_285 = tpu.memref_slice %arg11[%select_n3A_274] : memref<4x!tpu.dma_semaphore, #tpu.memory_space<semaphore_mem>> -> memref<1x!tpu.dma_semaphore, #tpu.memory_space<semaphore_mem>>
        %dma_start3A_286 = tpu.memref_squeeze %dma_start3A_285 : memref<1x!tpu.dma_semaphore, #tpu.memory_space<semaphore_mem>> -> memref<!tpu.dma_semaphore, #tpu.memory_space<semaphore_mem>>
        tpu.enqueue_indirect_dma source(%dma_start3A_284 : memref<10000x64xi32, #tpu.memory_space<vmem_shared>>) target(%dma_start3A_280 : memref<80x64xi32, #tpu.memory_space<vmem>>) offsets(%dma_start3A_281 : memref<80xi32, #tpu.memory_space<vmem>>) semaphore(%dma_start3A_286 : memref<!tpu.dma_semaphore, #tpu.memory_space<semaphore_mem>>)
        %dma_start3A_287 = arith.constant 0 : i32
        %dma_start3A_288 = arith.constant 0 : i32
        %dma_start3A_289 = tpu.memref_slice %arg8[%select_n3A_274, %dma_start3A_287, %dma_start3A_288] : memref<4x80x64xi32, #tpu.memory_space<vmem>> -> memref<1x80x64xi32, #tpu.memory_space<vmem>>
        %dma_start3A_290 = tpu.memref_squeeze %dma_start3A_289 : memref<1x80x64xi32, #tpu.memory_space<vmem>> -> memref<80x64xi32, #tpu.memory_space<vmem>>
        %dma_start3A_291 = tpu.memref_slice %arg6[%mul3A_276] : memref<10000xi32, #tpu.memory_space<vmem>> -> memref<80xi32, #tpu.memory_space<vmem>>
        %dma_start3A_292 = arith.constant 0 : i32
        %dma_start3A_293 = arith.constant 0 : i32
        %dma_start3A_294 = tpu.memref_slice %arg10[%dma_start3A_292, %dma_start3A_293] : memref<10000x64xi32, #tpu.memory_space<vmem_shared>> -> memref<10000x64xi32, #tpu.memory_space<vmem_shared>>
        %dma_start3A_295 = tpu.memref_slice %arg11[%select_n3A_274] : memref<4x!tpu.dma_semaphore, #tpu.memory_space<semaphore_mem>> -> memref<1x!tpu.dma_semaphore, #tpu.memory_space<semaphore_mem>>
        %dma_start3A_296 = tpu.memref_squeeze %dma_start3A_295 : memref<1x!tpu.dma_semaphore, #tpu.memory_space<semaphore_mem>> -> memref<!tpu.dma_semaphore, #tpu.memory_space<semaphore_mem>>
        tpu.enqueue_indirect_dma source(%dma_start3A_294 : memref<10000x64xi32, #tpu.memory_space<vmem_shared>>) target(%dma_start3A_290 : memref<80x64xi32, #tpu.memory_space<vmem>>) offsets(%dma_start3A_291 : memref<80xi32, #tpu.memory_space<vmem>>) semaphore(%dma_start3A_296 : memref<!tpu.dma_semaphore, #tpu.memory_space<semaphore_mem>>)
      } else {
      }
      %mul3A_159 = arith.constant 80 : i32
      %mul3A_160 = arith.muli %scan3A_143, %mul3A_159 : i32
      %dma_wait3A_161 = arith.constant 0 : i32
      %dma_wait3A_162 = arith.constant 0 : i32
      %dma_wait3A_163 = tpu.memref_slice %arg7[%select_n3A_152, %dma_wait3A_161, %dma_wait3A_162] : memref<4x80x64xi32, #tpu.memory_space<vmem>> -> memref<1x80x64xi32, #tpu.memory_space<vmem>>
      %dma_wait3A_164 = tpu.memref_squeeze %dma_wait3A_163 : memref<1x80x64xi32, #tpu.memory_space<vmem>> -> memref<80x64xi32, #tpu.memory_space<vmem>>
      %dma_wait3A_165 = tpu.memref_slice %arg5[%mul3A_160] : memref<10000xi32, #tpu.memory_space<vmem>> -> memref<80xi32, #tpu.memory_space<vmem>>
      %dma_wait3A_166 = arith.constant 0 : i32
      %dma_wait3A_167 = arith.constant 0 : i32
      %dma_wait3A_168 = tpu.memref_slice %arg10[%dma_wait3A_166, %dma_wait3A_167] : memref<10000x64xi32, #tpu.memory_space<vmem_shared>> -> memref<10000x64xi32, #tpu.memory_space<vmem_shared>>
      %dma_wait3A_169 = tpu.memref_slice %arg11[%select_n3A_152] : memref<4x!tpu.dma_semaphore, #tpu.memory_space<semaphore_mem>> -> memref<1x!tpu.dma_semaphore, #tpu.memory_space<semaphore_mem>>
      %dma_wait3A_170 = tpu.memref_squeeze %dma_wait3A_169 : memref<1x!tpu.dma_semaphore, #tpu.memory_space<semaphore_mem>> -> memref<!tpu.dma_semaphore, #tpu.memory_space<semaphore_mem>>
      tpu.wait_indirect_dma semaphore(%dma_wait3A_170 : memref<!tpu.dma_semaphore, #tpu.memory_space<semaphore_mem>>) src(%dma_wait3A_168 : memref<10000x64xi32, #tpu.memory_space<vmem_shared>>) dst(%dma_wait3A_164 : memref<80x64xi32, #tpu.memory_space<vmem>>)
      %dma_wait3A_171 = arith.constant 0 : i32
      %dma_wait3A_172 = arith.constant 0 : i32
      %dma_wait3A_173 = tpu.memref_slice %arg8[%select_n3A_152, %dma_wait3A_171, %dma_wait3A_172] : memref<4x80x64xi32, #tpu.memory_space<vmem>> -> memref<1x80x64xi32, #tpu.memory_space<vmem>>
      %dma_wait3A_174 = tpu.memref_squeeze %dma_wait3A_173 : memref<1x80x64xi32, #tpu.memory_space<vmem>> -> memref<80x64xi32, #tpu.memory_space<vmem>>
      %dma_wait3A_175 = tpu.memref_slice %arg6[%mul3A_160] : memref<10000xi32, #tpu.memory_space<vmem>> -> memref<80xi32, #tpu.memory_space<vmem>>
      %dma_wait3A_176 = arith.constant 0 : i32
      %dma_wait3A_177 = arith.constant 0 : i32
      %dma_wait3A_178 = tpu.memref_slice %arg10[%dma_wait3A_176, %dma_wait3A_177] : memref<10000x64xi32, #tpu.memory_space<vmem_shared>> -> memref<10000x64xi32, #tpu.memory_space<vmem_shared>>
      %dma_wait3A_179 = tpu.memref_slice %arg11[%select_n3A_152] : memref<4x!tpu.dma_semaphore, #tpu.memory_space<semaphore_mem>> -> memref<1x!tpu.dma_semaphore, #tpu.memory_space<semaphore_mem>>
      %dma_wait3A_180 = tpu.memref_squeeze %dma_wait3A_179 : memref<1x!tpu.dma_semaphore, #tpu.memory_space<semaphore_mem>> -> memref<!tpu.dma_semaphore, #tpu.memory_space<semaphore_mem>>
      tpu.wait_indirect_dma semaphore(%dma_wait3A_180 : memref<!tpu.dma_semaphore, #tpu.memory_space<semaphore_mem>>) src(%dma_wait3A_178 : memref<10000x64xi32, #tpu.memory_space<vmem_shared>>) dst(%dma_wait3A_174 : memref<80x64xi32, #tpu.memory_space<vmem>>)
      %ge3A = arith.constant 4 : i32
      %ge3A_181 = arith.cmpi sge, %scan3A_143, %ge3A : i32
      %convert_element_type3A_182 = arith.extui %ge3A_181 : i1 to i32
      %cond3A_183 = arith.constant 0 : i32
      %cond3A_184 = arith.cmpi ne, %convert_element_type3A_182, %cond3A_183 : i32
      scf.if %cond3A_184 {
        %sub3A_251 = arith.constant 4 : i32
        %sub3A_252 = arith.subi %scan3A_143, %sub3A_251 : i32
        %mul3A_253 = arith.constant 80 : i32
        %mul3A_254 = arith.muli %sub3A_252, %mul3A_253 : i32
        %add3A_255 = arith.addi %mul3A_2, %mul3A_254 : i32
        %dma_wait3A_256 = arith.constant 0 : i32
        %dma_wait3A_257 = tpu.memref_slice %arg9[%select_n3A_152, %dma_wait3A_256] : memref<4x80xf32, #tpu.memory_space<vmem>> -> memref<1x80xf32, #tpu.memory_space<vmem>>
        %dma_wait3A_258 = tpu.memref_squeeze %dma_wait3A_257 : memref<1x80xf32, #tpu.memory_space<vmem>> -> memref<80xf32, #tpu.memory_space<vmem>>
        %dma_wait3A_259 = tpu.memref_slice %arg4[%add3A_255] : memref<320000xf32, #tpu.memory_space<hbm>> -> memref<80xf32, #tpu.memory_space<hbm>>
        %dma_wait3A_260 = tpu.memref_slice %arg12[%select_n3A_152] : memref<4x!tpu.dma_semaphore, #tpu.memory_space<semaphore_mem>> -> memref<1x!tpu.dma_semaphore, #tpu.memory_space<semaphore_mem>>
        %dma_wait3A_261 = tpu.memref_squeeze %dma_wait3A_260 : memref<1x!tpu.dma_semaphore, #tpu.memory_space<semaphore_mem>> -> memref<!tpu.dma_semaphore, #tpu.memory_space<semaphore_mem>>
        %dma_wait3A_262 = tpu.memref_slice %arg4[%add3A_255] : memref<320000xf32, #tpu.memory_space<hbm>> -> memref<80xf32, #tpu.memory_space<hbm>>
        %dma_wait3A_263 = arith.constant 0 : i32
        %dma_wait3A_264 = tpu.memref_slice %arg9[%select_n3A_152, %dma_wait3A_263] : memref<4x80xf32, #tpu.memory_space<vmem>> -> memref<1x80xf32, #tpu.memory_space<vmem>>
        %dma_wait3A_265 = tpu.memref_squeeze %dma_wait3A_264 : memref<1x80xf32, #tpu.memory_space<vmem>> -> memref<80xf32, #tpu.memory_space<vmem>>
        tpu.wait_dma2 semaphore(%dma_wait3A_261 : memref<!tpu.dma_semaphore, #tpu.memory_space<semaphore_mem>>) src(%dma_wait3A_265 : memref<80xf32, #tpu.memory_space<vmem>>) dst(%dma_wait3A_262 : memref<80xf32, #tpu.memory_space<hbm>>)
      } else {
      }
      %broadcast_in_dim3A = arith.constant 0.000000e+00 : f32
      %broadcast_in_dim3A_185 = vector.broadcast %broadcast_in_dim3A : f32 to vector<16xf32>
      %scan3A_186 = arith.constant 0 : i32
      %scan3A_187 = arith.constant 16 : i32
      %scan3A_188 = arith.addi %scan3A_186, %scan3A_187 : i32
      %scan3A_189 = arith.constant 2 : i32
      %scan3A_190 = scf.for %scan3A_251 = %scan3A_186 to %scan3A_188 step %scan3A_189 iter_args(%scan3A_252 = %broadcast_in_dim3A_185) -> (vector<16xf32>)  : i32 {
        %add3A_253 = arith.constant 0 : i32
        %add3A_254 = arith.addi %add3A_253, %scan3A_251 : i32
        %broadcast_in_dim3A_255 = arith.constant 0.000000e+00 : f32
        %broadcast_in_dim3A_256 = vector.broadcast %broadcast_in_dim3A_255 : f32 to vector<16xf32>
        %broadcast_in_dim3A_257 = arith.constant 0.000000e+00 : f32
        %broadcast_in_dim3A_258 = vector.broadcast %broadcast_in_dim3A_257 : f32 to vector<16xf32>
        %get3A = arith.index_cast %select_n3A_152 : i32 to index
        %get3A_259 = arith.index_cast %add3A_254 : i32 to index
        %get3A_260 = arith.constant 0 : index
        %get3A_261 = tpu.vector_load %arg7[%get3A, %get3A_259, %get3A_260] {strides = array<i32>} : memref<4x80x64xi32, #tpu.memory_space<vmem>>, vector<16xi32>,
        %get3A_262 = arith.index_cast %select_n3A_152 : i32 to index
        %get3A_263 = arith.index_cast %add3A_254 : i32 to index
        %get3A_264 = arith.constant 0 : index
        %get3A_265 = tpu.vector_load %arg8[%get3A_262, %get3A_263, %get3A_264] {strides = array<i32>} : memref<4x80x64xi32, #tpu.memory_space<vmem>>, vector<16xi32>,
        %bitcast3A = vector.bitcast %get3A_261 : vector<16xi32> to vector<32xbf16>
        %bitcast3A_266 = vector.bitcast %get3A_265 : vector<16xi32> to vector<32xbf16>
        %mul3A_267 = arith.mulf %bitcast3A, %bitcast3A_266 : vector<32xbf16>
        %bitcast3A_268 = vector.bitcast %mul3A_267 : vector<32xbf16> to vector<16xi32>
        %bitcast3A_269 = vector.bitcast %bitcast3A_268 : vector<16xi32> to vector<16xf32>
        %add3A_270 = arith.addf %broadcast_in_dim3A_256, %bitcast3A_269 : vector<16xf32>
        %shift_left3A = arith.constant 16 : i32
        %shift_left3A_271 = vector.broadcast %shift_left3A : i32 to vector<16xi32>
        %shift_left3A_272 = arith.shli %bitcast3A_268, %shift_left3A_271 : vector<16xi32>
        %bitcast3A_273 = vector.bitcast %shift_left3A_272 : vector<16xi32> to vector<16xf32>
        %add3A_274 = arith.addf %broadcast_in_dim3A_258, %bitcast3A_273 : vector<16xf32>
        %get3A_275 = arith.index_cast %select_n3A_152 : i32 to index
        %get3A_276 = arith.index_cast %add3A_254 : i32 to index
        %get3A_277 = arith.constant 16 : index
        %get3A_278 = tpu.vector_load %arg7[%get3A_275, %get3A_276, %get3A_277] {strides = array<i32>} : memref<4x80x64xi32, #tpu.memory_space<vmem>>, vector<16xi32>,
        %get3A_279 = arith.index_cast %select_n3A_152 : i32 to index
        %get3A_280 = arith.index_cast %add3A_254 : i32 to index
        %get3A_281 = arith.constant 16 : index
        %get3A_282 = tpu.vector_load %arg8[%get3A_279, %get3A_280, %get3A_281] {strides = array<i32>} : memref<4x80x64xi32, #tpu.memory_space<vmem>>, vector<16xi32>,
        %bitcast3A_283 = vector.bitcast %get3A_278 : vector<16xi32> to vector<32xbf16>
        %bitcast3A_284 = vector.bitcast %get3A_282 : vector<16xi32> to vector<32xbf16>
        %mul3A_285 = arith.mulf %bitcast3A_283, %bitcast3A_284 : vector<32xbf16>
        %bitcast3A_286 = vector.bitcast %mul3A_285 : vector<32xbf16> to vector<16xi32>
        %bitcast3A_287 = vector.bitcast %bitcast3A_286 : vector<16xi32> to vector<16xf32>
        %add3A_288 = arith.addf %add3A_270, %bitcast3A_287 : vector<16xf32>
        %shift_left3A_289 = arith.constant 16 : i32
        %shift_left3A_290 = vector.broadcast %shift_left3A_289 : i32 to vector<16xi32>
        %shift_left3A_291 = arith.shli %bitcast3A_286, %shift_left3A_290 : vector<16xi32>
        %bitcast3A_292 = vector.bitcast %shift_left3A_291 : vector<16xi32> to vector<16xf32>
        %add3A_293 = arith.addf %add3A_274, %bitcast3A_292 : vector<16xf32>
        %get3A_294 = arith.index_cast %select_n3A_152 : i32 to index
        %get3A_295 = arith.index_cast %add3A_254 : i32 to index
        %get3A_296 = arith.constant 32 : index
        %get3A_297 = tpu.vector_load %arg7[%get3A_294, %get3A_295, %get3A_296] {strides = array<i32>} : memref<4x80x64xi32, #tpu.memory_space<vmem>>, vector<16xi32>,
        %get3A_298 = arith.index_cast %select_n3A_152 : i32 to index
        %get3A_299 = arith.index_cast %add3A_254 : i32 to index
        %get3A_300 = arith.constant 32 : index
        %get3A_301 = tpu.vector_load %arg8[%get3A_298, %get3A_299, %get3A_300] {strides = array<i32>} : memref<4x80x64xi32, #tpu.memory_space<vmem>>, vector<16xi32>,
        %bitcast3A_302 = vector.bitcast %get3A_297 : vector<16xi32> to vector<32xbf16>
        %bitcast3A_303 = vector.bitcast %get3A_301 : vector<16xi32> to vector<32xbf16>
        %mul3A_304 = arith.mulf %bitcast3A_302, %bitcast3A_303 : vector<32xbf16>
        %bitcast3A_305 = vector.bitcast %mul3A_304 : vector<32xbf16> to vector<16xi32>
        %bitcast3A_306 = vector.bitcast %bitcast3A_305 : vector<16xi32> to vector<16xf32>
        %add3A_307 = arith.addf %add3A_288, %bitcast3A_306 : vector<16xf32>
        %shift_left3A_308 = arith.constant 16 : i32
        %shift_left3A_309 = vector.broadcast %shift_left3A_308 : i32 to vector<16xi32>
        %shift_left3A_310 = arith.shli %bitcast3A_305, %shift_left3A_309 : vector<16xi32>
        %bitcast3A_311 = vector.bitcast %shift_left3A_310 : vector<16xi32> to vector<16xf32>
        %add3A_312 = arith.addf %add3A_293, %bitcast3A_311 : vector<16xf32>
        %get3A_313 = arith.index_cast %select_n3A_152 : i32 to index
        %get3A_314 = arith.index_cast %add3A_254 : i32 to index
        %get3A_315 = arith.constant 48 : index
        %get3A_316 = tpu.vector_load %arg7[%get3A_313, %get3A_314, %get3A_315] {strides = array<i32>} : memref<4x80x64xi32, #tpu.memory_space<vmem>>, vector<16xi32>,
        %get3A_317 = arith.index_cast %select_n3A_152 : i32 to index
        %get3A_318 = arith.index_cast %add3A_254 : i32 to index
        %get3A_319 = arith.constant 48 : index
        %get3A_320 = tpu.vector_load %arg8[%get3A_317, %get3A_318, %get3A_319] {strides = array<i32>} : memref<4x80x64xi32, #tpu.memory_space<vmem>>, vector<16xi32>,
        %bitcast3A_321 = vector.bitcast %get3A_316 : vector<16xi32> to vector<32xbf16>
        %bitcast3A_322 = vector.bitcast %get3A_320 : vector<16xi32> to vector<32xbf16>
        %mul3A_323 = arith.mulf %bitcast3A_321, %bitcast3A_322 : vector<32xbf16>
        %bitcast3A_324 = vector.bitcast %mul3A_323 : vector<32xbf16> to vector<16xi32>
        %bitcast3A_325 = vector.bitcast %bitcast3A_324 : vector<16xi32> to vector<16xf32>
        %add3A_326 = arith.addf %add3A_307, %bitcast3A_325 : vector<16xf32>
        %shift_left3A_327 = arith.constant 16 : i32
        %shift_left3A_328 = vector.broadcast %shift_left3A_327 : i32 to vector<16xi32>
        %shift_left3A_329 = arith.shli %bitcast3A_324, %shift_left3A_328 : vector<16xi32>
        %bitcast3A_330 = vector.bitcast %shift_left3A_329 : vector<16xi32> to vector<16xf32>
        %add3A_331 = arith.addf %add3A_312, %bitcast3A_330 : vector<16xf32>
        %eq3A_332 = vector.broadcast %scan3A_251 : i32 to vector<16xi32>
        %eq3A_333 = arith.cmpi eq, %iota3A, %eq3A_332 : vector<16xi32>
        %add3A_334 = arith.addf %add3A_326, %add3A_331 : vector<16xf32>
        %reduce_sum3A = arith.constant true
        %reduce_sum3A_335 = vector.broadcast %reduce_sum3A : i1 to vector<16xi1>
        %reduce_sum3A_336 = tpu.scan <sum>, %add3A_334 masked %reduce_sum3A_335 : vector<16xf32>, vector<16xi1> -> vector<16xf32>
        %reduce_sum3A_337 = vector.extract %reduce_sum3A_336[15] : f32 from vector<16xf32>
        %broadcast_in_dim3A_338 = vector.broadcast %reduce_sum3A_337 : f32 to vector<16xf32>
        %select_n3A_339 = arith.select %eq3A_333, %broadcast_in_dim3A_338, %scan3A_252 : vector<16xi1>, vector<16xf32>
        %scan3A_340 = arith.constant 1 : i32
        %scan3A_341 = arith.addi %scan3A_251, %scan3A_340 : i32
        %add3A_342 = arith.constant 0 : i32
        %add3A_343 = arith.addi %add3A_342, %scan3A_341 : i32
        %broadcast_in_dim3A_344 = arith.constant 0.000000e+00 : f32
        %broadcast_in_dim3A_345 = vector.broadcast %broadcast_in_dim3A_344 : f32 to vector<16xf32>
        %broadcast_in_dim3A_346 = arith.constant 0.000000e+00 : f32
        %broadcast_in_dim3A_347 = vector.broadcast %broadcast_in_dim3A_346 : f32 to vector<16xf32>
        %get3A_348 = arith.index_cast %select_n3A_152 : i32 to index
        %get3A_349 = arith.index_cast %add3A_343 : i32 to index
        %get3A_350 = arith.constant 0 : index
        %get3A_351 = tpu.vector_load %arg7[%get3A_348, %get3A_349, %get3A_350] {strides = array<i32>} : memref<4x80x64xi32, #tpu.memory_space<vmem>>, vector<16xi32>,
        %get3A_352 = arith.index_cast %select_n3A_152 : i32 to index
        %get3A_353 = arith.index_cast %add3A_343 : i32 to index
        %get3A_354 = arith.constant 0 : index
        %get3A_355 = tpu.vector_load %arg8[%get3A_352, %get3A_353, %get3A_354] {strides = array<i32>} : memref<4x80x64xi32, #tpu.memory_space<vmem>>, vector<16xi32>,
        %bitcast3A_356 = vector.bitcast %get3A_351 : vector<16xi32> to vector<32xbf16>
        %bitcast3A_357 = vector.bitcast %get3A_355 : vector<16xi32> to vector<32xbf16>
        %mul3A_358 = arith.mulf %bitcast3A_356, %bitcast3A_357 : vector<32xbf16>
        %bitcast3A_359 = vector.bitcast %mul3A_358 : vector<32xbf16> to vector<16xi32>
        %bitcast3A_360 = vector.bitcast %bitcast3A_359 : vector<16xi32> to vector<16xf32>
        %add3A_361 = arith.addf %broadcast_in_dim3A_345, %bitcast3A_360 : vector<16xf32>
        %shift_left3A_362 = arith.constant 16 : i32
        %shift_left3A_363 = vector.broadcast %shift_left3A_362 : i32 to vector<16xi32>
        %shift_left3A_364 = arith.shli %bitcast3A_359, %shift_left3A_363 : vector<16xi32>
        %bitcast3A_365 = vector.bitcast %shift_left3A_364 : vector<16xi32> to vector<16xf32>
        %add3A_366 = arith.addf %broadcast_in_dim3A_347, %bitcast3A_365 : vector<16xf32>
        %get3A_367 = arith.index_cast %select_n3A_152 : i32 to index
        %get3A_368 = arith.index_cast %add3A_343 : i32 to index
        %get3A_369 = arith.constant 16 : index
        %get3A_370 = tpu.vector_load %arg7[%get3A_367, %get3A_368, %get3A_369] {strides = array<i32>} : memref<4x80x64xi32, #tpu.memory_space<vmem>>, vector<16xi32>,
        %get3A_371 = arith.index_cast %select_n3A_152 : i32 to index
        %get3A_372 = arith.index_cast %add3A_343 : i32 to index
        %get3A_373 = arith.constant 16 : index
        %get3A_374 = tpu.vector_load %arg8[%get3A_371, %get3A_372, %get3A_373] {strides = array<i32>} : memref<4x80x64xi32, #tpu.memory_space<vmem>>, vector<16xi32>,
        %bitcast3A_375 = vector.bitcast %get3A_370 : vector<16xi32> to vector<32xbf16>
        %bitcast3A_376 = vector.bitcast %get3A_374 : vector<16xi32> to vector<32xbf16>
        %mul3A_377 = arith.mulf %bitcast3A_375, %bitcast3A_376 : vector<32xbf16>
        %bitcast3A_378 = vector.bitcast %mul3A_377 : vector<32xbf16> to vector<16xi32>
        %bitcast3A_379 = vector.bitcast %bitcast3A_378 : vector<16xi32> to vector<16xf32>
        %add3A_380 = arith.addf %add3A_361, %bitcast3A_379 : vector<16xf32>
        %shift_left3A_381 = arith.constant 16 : i32
        %shift_left3A_382 = vector.broadcast %shift_left3A_381 : i32 to vector<16xi32>
        %shift_left3A_383 = arith.shli %bitcast3A_378, %shift_left3A_382 : vector<16xi32>
        %bitcast3A_384 = vector.bitcast %shift_left3A_383 : vector<16xi32> to vector<16xf32>
        %add3A_385 = arith.addf %add3A_366, %bitcast3A_384 : vector<16xf32>
        %get3A_386 = arith.index_cast %select_n3A_152 : i32 to index
        %get3A_387 = arith.index_cast %add3A_343 : i32 to index
        %get3A_388 = arith.constant 32 : index
        %get3A_389 = tpu.vector_load %arg7[%get3A_386, %get3A_387, %get3A_388] {strides = array<i32>} : memref<4x80x64xi32, #tpu.memory_space<vmem>>, vector<16xi32>,
        %get3A_390 = arith.index_cast %select_n3A_152 : i32 to index
        %get3A_391 = arith.index_cast %add3A_343 : i32 to index
        %get3A_392 = arith.constant 32 : index
        %get3A_393 = tpu.vector_load %arg8[%get3A_390, %get3A_391, %get3A_392] {strides = array<i32>} : memref<4x80x64xi32, #tpu.memory_space<vmem>>, vector<16xi32>,
        %bitcast3A_394 = vector.bitcast %get3A_389 : vector<16xi32> to vector<32xbf16>
        %bitcast3A_395 = vector.bitcast %get3A_393 : vector<16xi32> to vector<32xbf16>
        %mul3A_396 = arith.mulf %bitcast3A_394, %bitcast3A_395 : vector<32xbf16>
        %bitcast3A_397 = vector.bitcast %mul3A_396 : vector<32xbf16> to vector<16xi32>
        %bitcast3A_398 = vector.bitcast %bitcast3A_397 : vector<16xi32> to vector<16xf32>
        %add3A_399 = arith.addf %add3A_380, %bitcast3A_398 : vector<16xf32>
        %shift_left3A_400 = arith.constant 16 : i32
        %shift_left3A_401 = vector.broadcast %shift_left3A_400 : i32 to vector<16xi32>
        %shift_left3A_402 = arith.shli %bitcast3A_397, %shift_left3A_401 : vector<16xi32>
        %bitcast3A_403 = vector.bitcast %shift_left3A_402 : vector<16xi32> to vector<16xf32>
        %add3A_404 = arith.addf %add3A_385, %bitcast3A_403 : vector<16xf32>
        %get3A_405 = arith.index_cast %select_n3A_152 : i32 to index
        %get3A_406 = arith.index_cast %add3A_343 : i32 to index
        %get3A_407 = arith.constant 48 : index
        %get3A_408 = tpu.vector_load %arg7[%get3A_405, %get3A_406, %get3A_407] {strides = array<i32>} : memref<4x80x64xi32, #tpu.memory_space<vmem>>, vector<16xi32>,
        %get3A_409 = arith.index_cast %select_n3A_152 : i32 to index
        %get3A_410 = arith.index_cast %add3A_343 : i32 to index
        %get3A_411 = arith.constant 48 : index
        %get3A_412 = tpu.vector_load %arg8[%get3A_409, %get3A_410, %get3A_411] {strides = array<i32>} : memref<4x80x64xi32, #tpu.memory_space<vmem>>, vector<16xi32>,
        %bitcast3A_413 = vector.bitcast %get3A_408 : vector<16xi32> to vector<32xbf16>
        %bitcast3A_414 = vector.bitcast %get3A_412 : vector<16xi32> to vector<32xbf16>
        %mul3A_415 = arith.mulf %bitcast3A_413, %bitcast3A_414 : vector<32xbf16>
        %bitcast3A_416 = vector.bitcast %mul3A_415 : vector<32xbf16> to vector<16xi32>
        %bitcast3A_417 = vector.bitcast %bitcast3A_416 : vector<16xi32> to vector<16xf32>
        %add3A_418 = arith.addf %add3A_399, %bitcast3A_417 : vector<16xf32>
        %shift_left3A_419 = arith.constant 16 : i32
        %shift_left3A_420 = vector.broadcast %shift_left3A_419 : i32 to vector<16xi32>
        %shift_left3A_421 = arith.shli %bitcast3A_416, %shift_left3A_420 : vector<16xi32>
        %bitcast3A_422 = vector.bitcast %shift_left3A_421 : vector<16xi32> to vector<16xf32>
        %add3A_423 = arith.addf %add3A_404, %bitcast3A_422 : vector<16xf32>
        %eq3A_424 = vector.broadcast %scan3A_341 : i32 to vector<16xi32>
        %eq3A_425 = arith.cmpi eq, %iota3A, %eq3A_424 : vector<16xi32>
        %add3A_426 = arith.addf %add3A_418, %add3A_423 : vector<16xf32>
        %reduce_sum3A_427 = arith.constant true
        %reduce_sum3A_428 = vector.broadcast %reduce_sum3A_427 : i1 to vector<16xi1>
        %reduce_sum3A_429 = tpu.scan <sum>, %add3A_426 masked %reduce_sum3A_428 : vector<16xf32>, vector<16xi1> -> vector<16xf32>
        %reduce_sum3A_430 = vector.extract %reduce_sum3A_429[15] : f32 from vector<16xf32>
        %broadcast_in_dim3A_431 = vector.broadcast %reduce_sum3A_430 : f32 to vector<16xf32>
        %select_n3A_432 = arith.select %eq3A_425, %broadcast_in_dim3A_431, %select_n3A_339 : vector<16xi1>, vector<16xf32>
        scf.yield %select_n3A_432 : vector<16xf32>
      }
      %scan3A_191 = arith.constant 16 : i32
      %swap3A = arith.index_cast %select_n3A_152 : i32 to index
      %swap3A_192 = arith.constant 0 : index
      %swap3A_193 = tpu.vector_load %arg9[%swap3A, %swap3A_192] {strides = array<i32>} : memref<4x80xf32, #tpu.memory_space<vmem>>, vector<16xf32>,
      tpu.vector_store %arg9[%swap3A, %swap3A_192], %scan3A_190 {strides = array<i32>} : memref<4x80xf32, #tpu.memory_space<vmem>>, vector<16xf32>,
      %broadcast_in_dim3A_194 = arith.constant 0.000000e+00 : f32
      %broadcast_in_dim3A_195 = vector.broadcast %broadcast_in_dim3A_194 : f32 to vector<16xf32>
      %scan3A_196 = arith.constant 0 : i32
      %scan3A_197 = arith.constant 16 : i32
      %scan3A_198 = arith.addi %scan3A_196, %scan3A_197 : i32
      %scan3A_199 = arith.constant 2 : i32
      %scan3A_200 = scf.for %scan3A_251 = %scan3A_196 to %scan3A_198 step %scan3A_199 iter_args(%scan3A_252 = %broadcast_in_dim3A_195) -> (vector<16xf32>)  : i32 {
        %add3A_253 = arith.constant 16 : i32
        %add3A_254 = arith.addi %add3A_253, %scan3A_251 : i32
        %broadcast_in_dim3A_255 = arith.constant 0.000000e+00 : f32
        %broadcast_in_dim3A_256 = vector.broadcast %broadcast_in_dim3A_255 : f32 to vector<16xf32>
        %broadcast_in_dim3A_257 = arith.constant 0.000000e+00 : f32
        %broadcast_in_dim3A_258 = vector.broadcast %broadcast_in_dim3A_257 : f32 to vector<16xf32>
        %get3A = arith.index_cast %select_n3A_152 : i32 to index
        %get3A_259 = arith.index_cast %add3A_254 : i32 to index
        %get3A_260 = arith.constant 0 : index
        %get3A_261 = tpu.vector_load %arg7[%get3A, %get3A_259, %get3A_260] {strides = array<i32>} : memref<4x80x64xi32, #tpu.memory_space<vmem>>, vector<16xi32>,
        %get3A_262 = arith.index_cast %select_n3A_152 : i32 to index
        %get3A_263 = arith.index_cast %add3A_254 : i32 to index
        %get3A_264 = arith.constant 0 : index
        %get3A_265 = tpu.vector_load %arg8[%get3A_262, %get3A_263, %get3A_264] {strides = array<i32>} : memref<4x80x64xi32, #tpu.memory_space<vmem>>, vector<16xi32>,
        %bitcast3A = vector.bitcast %get3A_261 : vector<16xi32> to vector<32xbf16>
        %bitcast3A_266 = vector.bitcast %get3A_265 : vector<16xi32> to vector<32xbf16>
        %mul3A_267 = arith.mulf %bitcast3A, %bitcast3A_266 : vector<32xbf16>
        %bitcast3A_268 = vector.bitcast %mul3A_267 : vector<32xbf16> to vector<16xi32>
        %bitcast3A_269 = vector.bitcast %bitcast3A_268 : vector<16xi32> to vector<16xf32>
        %add3A_270 = arith.addf %broadcast_in_dim3A_256, %bitcast3A_269 : vector<16xf32>
        %shift_left3A = arith.constant 16 : i32
        %shift_left3A_271 = vector.broadcast %shift_left3A : i32 to vector<16xi32>
        %shift_left3A_272 = arith.shli %bitcast3A_268, %shift_left3A_271 : vector<16xi32>
        %bitcast3A_273 = vector.bitcast %shift_left3A_272 : vector<16xi32> to vector<16xf32>
        %add3A_274 = arith.addf %broadcast_in_dim3A_258, %bitcast3A_273 : vector<16xf32>
        %get3A_275 = arith.index_cast %select_n3A_152 : i32 to index
        %get3A_276 = arith.index_cast %add3A_254 : i32 to index
        %get3A_277 = arith.constant 16 : index
        %get3A_278 = tpu.vector_load %arg7[%get3A_275, %get3A_276, %get3A_277] {strides = array<i32>} : memref<4x80x64xi32, #tpu.memory_space<vmem>>, vector<16xi32>,
        %get3A_279 = arith.index_cast %select_n3A_152 : i32 to index
        %get3A_280 = arith.index_cast %add3A_254 : i32 to index
        %get3A_281 = arith.constant 16 : index
        %get3A_282 = tpu.vector_load %arg8[%get3A_279, %get3A_280, %get3A_281] {strides = array<i32>} : memref<4x80x64xi32, #tpu.memory_space<vmem>>, vector<16xi32>,
        %bitcast3A_283 = vector.bitcast %get3A_278 : vector<16xi32> to vector<32xbf16>
        %bitcast3A_284 = vector.bitcast %get3A_282 : vector<16xi32> to vector<32xbf16>
        %mul3A_285 = arith.mulf %bitcast3A_283, %bitcast3A_284 : vector<32xbf16>
        %bitcast3A_286 = vector.bitcast %mul3A_285 : vector<32xbf16> to vector<16xi32>
        %bitcast3A_287 = vector.bitcast %bitcast3A_286 : vector<16xi32> to vector<16xf32>
        %add3A_288 = arith.addf %add3A_270, %bitcast3A_287 : vector<16xf32>
        %shift_left3A_289 = arith.constant 16 : i32
        %shift_left3A_290 = vector.broadcast %shift_left3A_289 : i32 to vector<16xi32>
        %shift_left3A_291 = arith.shli %bitcast3A_286, %shift_left3A_290 : vector<16xi32>
        %bitcast3A_292 = vector.bitcast %shift_left3A_291 : vector<16xi32> to vector<16xf32>
        %add3A_293 = arith.addf %add3A_274, %bitcast3A_292 : vector<16xf32>
        %get3A_294 = arith.index_cast %select_n3A_152 : i32 to index
        %get3A_295 = arith.index_cast %add3A_254 : i32 to index
        %get3A_296 = arith.constant 32 : index
        %get3A_297 = tpu.vector_load %arg7[%get3A_294, %get3A_295, %get3A_296] {strides = array<i32>} : memref<4x80x64xi32, #tpu.memory_space<vmem>>, vector<16xi32>,
        %get3A_298 = arith.index_cast %select_n3A_152 : i32 to index
        %get3A_299 = arith.index_cast %add3A_254 : i32 to index
        %get3A_300 = arith.constant 32 : index
        %get3A_301 = tpu.vector_load %arg8[%get3A_298, %get3A_299, %get3A_300] {strides = array<i32>} : memref<4x80x64xi32, #tpu.memory_space<vmem>>, vector<16xi32>,
        %bitcast3A_302 = vector.bitcast %get3A_297 : vector<16xi32> to vector<32xbf16>
        %bitcast3A_303 = vector.bitcast %get3A_301 : vector<16xi32> to vector<32xbf16>
        %mul3A_304 = arith.mulf %bitcast3A_302, %bitcast3A_303 : vector<32xbf16>
        %bitcast3A_305 = vector.bitcast %mul3A_304 : vector<32xbf16> to vector<16xi32>
        %bitcast3A_306 = vector.bitcast %bitcast3A_305 : vector<16xi32> to vector<16xf32>
        %add3A_307 = arith.addf %add3A_288, %bitcast3A_306 : vector<16xf32>
        %shift_left3A_308 = arith.constant 16 : i32
        %shift_left3A_309 = vector.broadcast %shift_left3A_308 : i32 to vector<16xi32>
        %shift_left3A_310 = arith.shli %bitcast3A_305, %shift_left3A_309 : vector<16xi32>
        %bitcast3A_311 = vector.bitcast %shift_left3A_310 : vector<16xi32> to vector<16xf32>
        %add3A_312 = arith.addf %add3A_293, %bitcast3A_311 : vector<16xf32>
        %get3A_313 = arith.index_cast %select_n3A_152 : i32 to index
        %get3A_314 = arith.index_cast %add3A_254 : i32 to index
        %get3A_315 = arith.constant 48 : index
        %get3A_316 = tpu.vector_load %arg7[%get3A_313, %get3A_314, %get3A_315] {strides = array<i32>} : memref<4x80x64xi32, #tpu.memory_space<vmem>>, vector<16xi32>,
        %get3A_317 = arith.index_cast %select_n3A_152 : i32 to index
        %get3A_318 = arith.index_cast %add3A_254 : i32 to index
        %get3A_319 = arith.constant 48 : index
        %get3A_320 = tpu.vector_load %arg8[%get3A_317, %get3A_318, %get3A_319] {strides = array<i32>} : memref<4x80x64xi32, #tpu.memory_space<vmem>>, vector<16xi32>,
        %bitcast3A_321 = vector.bitcast %get3A_316 : vector<16xi32> to vector<32xbf16>
        %bitcast3A_322 = vector.bitcast %get3A_320 : vector<16xi32> to vector<32xbf16>
        %mul3A_323 = arith.mulf %bitcast3A_321, %bitcast3A_322 : vector<32xbf16>
        %bitcast3A_324 = vector.bitcast %mul3A_323 : vector<32xbf16> to vector<16xi32>
        %bitcast3A_325 = vector.bitcast %bitcast3A_324 : vector<16xi32> to vector<16xf32>
        %add3A_326 = arith.addf %add3A_307, %bitcast3A_325 : vector<16xf32>
        %shift_left3A_327 = arith.constant 16 : i32
        %shift_left3A_328 = vector.broadcast %shift_left3A_327 : i32 to vector<16xi32>
        %shift_left3A_329 = arith.shli %bitcast3A_324, %shift_left3A_328 : vector<16xi32>
        %bitcast3A_330 = vector.bitcast %shift_left3A_329 : vector<16xi32> to vector<16xf32>
        %add3A_331 = arith.addf %add3A_312, %bitcast3A_330 : vector<16xf32>
        %eq3A_332 = vector.broadcast %scan3A_251 : i32 to vector<16xi32>
        %eq3A_333 = arith.cmpi eq, %iota3A, %eq3A_332 : vector<16xi32>
        %add3A_334 = arith.addf %add3A_326, %add3A_331 : vector<16xf32>
        %reduce_sum3A = arith.constant true
        %reduce_sum3A_335 = vector.broadcast %reduce_sum3A : i1 to vector<16xi1>
        %reduce_sum3A_336 = tpu.scan <sum>, %add3A_334 masked %reduce_sum3A_335 : vector<16xf32>, vector<16xi1> -> vector<16xf32>
        %reduce_sum3A_337 = vector.extract %reduce_sum3A_336[15] : f32 from vector<16xf32>
        %broadcast_in_dim3A_338 = vector.broadcast %reduce_sum3A_337 : f32 to vector<16xf32>
        %select_n3A_339 = arith.select %eq3A_333, %broadcast_in_dim3A_338, %scan3A_252 : vector<16xi1>, vector<16xf32>
        %scan3A_340 = arith.constant 1 : i32
        %scan3A_341 = arith.addi %scan3A_251, %scan3A_340 : i32
        %add3A_342 = arith.constant 16 : i32
        %add3A_343 = arith.addi %add3A_342, %scan3A_341 : i32
        %broadcast_in_dim3A_344 = arith.constant 0.000000e+00 : f32
        %broadcast_in_dim3A_345 = vector.broadcast %broadcast_in_dim3A_344 : f32 to vector<16xf32>
        %broadcast_in_dim3A_346 = arith.constant 0.000000e+00 : f32
        %broadcast_in_dim3A_347 = vector.broadcast %broadcast_in_dim3A_346 : f32 to vector<16xf32>
        %get3A_348 = arith.index_cast %select_n3A_152 : i32 to index
        %get3A_349 = arith.index_cast %add3A_343 : i32 to index
        %get3A_350 = arith.constant 0 : index
        %get3A_351 = tpu.vector_load %arg7[%get3A_348, %get3A_349, %get3A_350] {strides = array<i32>} : memref<4x80x64xi32, #tpu.memory_space<vmem>>, vector<16xi32>,
        %get3A_352 = arith.index_cast %select_n3A_152 : i32 to index
        %get3A_353 = arith.index_cast %add3A_343 : i32 to index
        %get3A_354 = arith.constant 0 : index
        %get3A_355 = tpu.vector_load %arg8[%get3A_352, %get3A_353, %get3A_354] {strides = array<i32>} : memref<4x80x64xi32, #tpu.memory_space<vmem>>, vector<16xi32>,
        %bitcast3A_356 = vector.bitcast %get3A_351 : vector<16xi32> to vector<32xbf16>
        %bitcast3A_357 = vector.bitcast %get3A_355 : vector<16xi32> to vector<32xbf16>
        %mul3A_358 = arith.mulf %bitcast3A_356, %bitcast3A_357 : vector<32xbf16>
        %bitcast3A_359 = vector.bitcast %mul3A_358 : vector<32xbf16> to vector<16xi32>
        %bitcast3A_360 = vector.bitcast %bitcast3A_359 : vector<16xi32> to vector<16xf32>
        %add3A_361 = arith.addf %broadcast_in_dim3A_345, %bitcast3A_360 : vector<16xf32>
        %shift_left3A_362 = arith.constant 16 : i32
        %shift_left3A_363 = vector.broadcast %shift_left3A_362 : i32 to vector<16xi32>
        %shift_left3A_364 = arith.shli %bitcast3A_359, %shift_left3A_363 : vector<16xi32>
        %bitcast3A_365 = vector.bitcast %shift_left3A_364 : vector<16xi32> to vector<16xf32>
        %add3A_366 = arith.addf %broadcast_in_dim3A_347, %bitcast3A_365 : vector<16xf32>
        %get3A_367 = arith.index_cast %select_n3A_152 : i32 to index
        %get3A_368 = arith.index_cast %add3A_343 : i32 to index
        %get3A_369 = arith.constant 16 : index
        %get3A_370 = tpu.vector_load %arg7[%get3A_367, %get3A_368, %get3A_369] {strides = array<i32>} : memref<4x80x64xi32, #tpu.memory_space<vmem>>, vector<16xi32>,
        %get3A_371 = arith.index_cast %select_n3A_152 : i32 to index
        %get3A_372 = arith.index_cast %add3A_343 : i32 to index
        %get3A_373 = arith.constant 16 : index
        %get3A_374 = tpu.vector_load %arg8[%get3A_371, %get3A_372, %get3A_373] {strides = array<i32>} : memref<4x80x64xi32, #tpu.memory_space<vmem>>, vector<16xi32>,
        %bitcast3A_375 = vector.bitcast %get3A_370 : vector<16xi32> to vector<32xbf16>
        %bitcast3A_376 = vector.bitcast %get3A_374 : vector<16xi32> to vector<32xbf16>
        %mul3A_377 = arith.mulf %bitcast3A_375, %bitcast3A_376 : vector<32xbf16>
        %bitcast3A_378 = vector.bitcast %mul3A_377 : vector<32xbf16> to vector<16xi32>
        %bitcast3A_379 = vector.bitcast %bitcast3A_378 : vector<16xi32> to vector<16xf32>
        %add3A_380 = arith.addf %add3A_361, %bitcast3A_379 : vector<16xf32>
        %shift_left3A_381 = arith.constant 16 : i32
        %shift_left3A_382 = vector.broadcast %shift_left3A_381 : i32 to vector<16xi32>
        %shift_left3A_383 = arith.shli %bitcast3A_378, %shift_left3A_382 : vector<16xi32>
        %bitcast3A_384 = vector.bitcast %shift_left3A_383 : vector<16xi32> to vector<16xf32>
        %add3A_385 = arith.addf %add3A_366, %bitcast3A_384 : vector<16xf32>
        %get3A_386 = arith.index_cast %select_n3A_152 : i32 to index
        %get3A_387 = arith.index_cast %add3A_343 : i32 to index
        %get3A_388 = arith.constant 32 : index
        %get3A_389 = tpu.vector_load %arg7[%get3A_386, %get3A_387, %get3A_388] {strides = array<i32>} : memref<4x80x64xi32, #tpu.memory_space<vmem>>, vector<16xi32>,
        %get3A_390 = arith.index_cast %select_n3A_152 : i32 to index
        %get3A_391 = arith.index_cast %add3A_343 : i32 to index
        %get3A_392 = arith.constant 32 : index
        %get3A_393 = tpu.vector_load %arg8[%get3A_390, %get3A_391, %get3A_392] {strides = array<i32>} : memref<4x80x64xi32, #tpu.memory_space<vmem>>, vector<16xi32>,
        %bitcast3A_394 = vector.bitcast %get3A_389 : vector<16xi32> to vector<32xbf16>
        %bitcast3A_395 = vector.bitcast %get3A_393 : vector<16xi32> to vector<32xbf16>
        %mul3A_396 = arith.mulf %bitcast3A_394, %bitcast3A_395 : vector<32xbf16>
        %bitcast3A_397 = vector.bitcast %mul3A_396 : vector<32xbf16> to vector<16xi32>
        %bitcast3A_398 = vector.bitcast %bitcast3A_397 : vector<16xi32> to vector<16xf32>
        %add3A_399 = arith.addf %add3A_380, %bitcast3A_398 : vector<16xf32>
        %shift_left3A_400 = arith.constant 16 : i32
        %shift_left3A_401 = vector.broadcast %shift_left3A_400 : i32 to vector<16xi32>
        %shift_left3A_402 = arith.shli %bitcast3A_397, %shift_left3A_401 : vector<16xi32>
        %bitcast3A_403 = vector.bitcast %shift_left3A_402 : vector<16xi32> to vector<16xf32>
        %add3A_404 = arith.addf %add3A_385, %bitcast3A_403 : vector<16xf32>
        %get3A_405 = arith.index_cast %select_n3A_152 : i32 to index
        %get3A_406 = arith.index_cast %add3A_343 : i32 to index
        %get3A_407 = arith.constant 48 : index
        %get3A_408 = tpu.vector_load %arg7[%get3A_405, %get3A_406, %get3A_407] {strides = array<i32>} : memref<4x80x64xi32, #tpu.memory_space<vmem>>, vector<16xi32>,
        %get3A_409 = arith.index_cast %select_n3A_152 : i32 to index
        %get3A_410 = arith.index_cast %add3A_343 : i32 to index
        %get3A_411 = arith.constant 48 : index
        %get3A_412 = tpu.vector_load %arg8[%get3A_409, %get3A_410, %get3A_411] {strides = array<i32>} : memref<4x80x64xi32, #tpu.memory_space<vmem>>, vector<16xi32>,
        %bitcast3A_413 = vector.bitcast %get3A_408 : vector<16xi32> to vector<32xbf16>
        %bitcast3A_414 = vector.bitcast %get3A_412 : vector<16xi32> to vector<32xbf16>
        %mul3A_415 = arith.mulf %bitcast3A_413, %bitcast3A_414 : vector<32xbf16>
        %bitcast3A_416 = vector.bitcast %mul3A_415 : vector<32xbf16> to vector<16xi32>
        %bitcast3A_417 = vector.bitcast %bitcast3A_416 : vector<16xi32> to vector<16xf32>
        %add3A_418 = arith.addf %add3A_399, %bitcast3A_417 : vector<16xf32>
        %shift_left3A_419 = arith.constant 16 : i32
        %shift_left3A_420 = vector.broadcast %shift_left3A_419 : i32 to vector<16xi32>
        %shift_left3A_421 = arith.shli %bitcast3A_416, %shift_left3A_420 : vector<16xi32>
        %bitcast3A_422 = vector.bitcast %shift_left3A_421 : vector<16xi32> to vector<16xf32>
        %add3A_423 = arith.addf %add3A_404, %bitcast3A_422 : vector<16xf32>
        %eq3A_424 = vector.broadcast %scan3A_341 : i32 to vector<16xi32>
        %eq3A_425 = arith.cmpi eq, %iota3A, %eq3A_424 : vector<16xi32>
        %add3A_426 = arith.addf %add3A_418, %add3A_423 : vector<16xf32>
        %reduce_sum3A_427 = arith.constant true
        %reduce_sum3A_428 = vector.broadcast %reduce_sum3A_427 : i1 to vector<16xi1>
        %reduce_sum3A_429 = tpu.scan <sum>, %add3A_426 masked %reduce_sum3A_428 : vector<16xf32>, vector<16xi1> -> vector<16xf32>
        %reduce_sum3A_430 = vector.extract %reduce_sum3A_429[15] : f32 from vector<16xf32>
        %broadcast_in_dim3A_431 = vector.broadcast %reduce_sum3A_430 : f32 to vector<16xf32>
        %select_n3A_432 = arith.select %eq3A_425, %broadcast_in_dim3A_431, %select_n3A_339 : vector<16xi1>, vector<16xf32>
        scf.yield %select_n3A_432 : vector<16xf32>
      }
      %scan3A_201 = arith.constant 16 : i32
      %swap3A_202 = arith.index_cast %select_n3A_152 : i32 to index
      %swap3A_203 = arith.constant 16 : index
      %swap3A_204 = tpu.vector_load %arg9[%swap3A_202, %swap3A_203] {strides = array<i32>} : memref<4x80xf32, #tpu.memory_space<vmem>>, vector<16xf32>,
      tpu.vector_store %arg9[%swap3A_202, %swap3A_203], %scan3A_200 {strides = array<i32>} : memref<4x80xf32, #tpu.memory_space<vmem>>, vector<16xf32>,
      %broadcast_in_dim3A_205 = arith.constant 0.000000e+00 : f32
      %broadcast_in_dim3A_206 = vector.broadcast %broadcast_in_dim3A_205 : f32 to vector<16xf32>
      %scan3A_207 = arith.constant 0 : i32
      %scan3A_208 = arith.constant 16 : i32
      %scan3A_209 = arith.addi %scan3A_207, %scan3A_208 : i32
      %scan3A_210 = arith.constant 2 : i32
      %scan3A_211 = scf.for %scan3A_251 = %scan3A_207 to %scan3A_209 step %scan3A_210 iter_args(%scan3A_252 = %broadcast_in_dim3A_206) -> (vector<16xf32>)  : i32 {
        %add3A_253 = arith.constant 32 : i32
        %add3A_254 = arith.addi %add3A_253, %scan3A_251 : i32
        %broadcast_in_dim3A_255 = arith.constant 0.000000e+00 : f32
        %broadcast_in_dim3A_256 = vector.broadcast %broadcast_in_dim3A_255 : f32 to vector<16xf32>
        %broadcast_in_dim3A_257 = arith.constant 0.000000e+00 : f32
        %broadcast_in_dim3A_258 = vector.broadcast %broadcast_in_dim3A_257 : f32 to vector<16xf32>
        %get3A = arith.index_cast %select_n3A_152 : i32 to index
        %get3A_259 = arith.index_cast %add3A_254 : i32 to index
        %get3A_260 = arith.constant 0 : index
        %get3A_261 = tpu.vector_load %arg7[%get3A, %get3A_259, %get3A_260] {strides = array<i32>} : memref<4x80x64xi32, #tpu.memory_space<vmem>>, vector<16xi32>,
        %get3A_262 = arith.index_cast %select_n3A_152 : i32 to index
        %get3A_263 = arith.index_cast %add3A_254 : i32 to index
        %get3A_264 = arith.constant 0 : index
        %get3A_265 = tpu.vector_load %arg8[%get3A_262, %get3A_263, %get3A_264] {strides = array<i32>} : memref<4x80x64xi32, #tpu.memory_space<vmem>>, vector<16xi32>,
        %bitcast3A = vector.bitcast %get3A_261 : vector<16xi32> to vector<32xbf16>
        %bitcast3A_266 = vector.bitcast %get3A_265 : vector<16xi32> to vector<32xbf16>
        %mul3A_267 = arith.mulf %bitcast3A, %bitcast3A_266 : vector<32xbf16>
        %bitcast3A_268 = vector.bitcast %mul3A_267 : vector<32xbf16> to vector<16xi32>
        %bitcast3A_269 = vector.bitcast %bitcast3A_268 : vector<16xi32> to vector<16xf32>
        %add3A_270 = arith.addf %broadcast_in_dim3A_256, %bitcast3A_269 : vector<16xf32>
        %shift_left3A = arith.constant 16 : i32
        %shift_left3A_271 = vector.broadcast %shift_left3A : i32 to vector<16xi32>
        %shift_left3A_272 = arith.shli %bitcast3A_268, %shift_left3A_271 : vector<16xi32>
        %bitcast3A_273 = vector.bitcast %shift_left3A_272 : vector<16xi32> to vector<16xf32>
        %add3A_274 = arith.addf %broadcast_in_dim3A_258, %bitcast3A_273 : vector<16xf32>
        %get3A_275 = arith.index_cast %select_n3A_152 : i32 to index
        %get3A_276 = arith.index_cast %add3A_254 : i32 to index
        %get3A_277 = arith.constant 16 : index
        %get3A_278 = tpu.vector_load %arg7[%get3A_275, %get3A_276, %get3A_277] {strides = array<i32>} : memref<4x80x64xi32, #tpu.memory_space<vmem>>, vector<16xi32>,
        %get3A_279 = arith.index_cast %select_n3A_152 : i32 to index
        %get3A_280 = arith.index_cast %add3A_254 : i32 to index
        %get3A_281 = arith.constant 16 : index
        %get3A_282 = tpu.vector_load %arg8[%get3A_279, %get3A_280, %get3A_281] {strides = array<i32>} : memref<4x80x64xi32, #tpu.memory_space<vmem>>, vector<16xi32>,
        %bitcast3A_283 = vector.bitcast %get3A_278 : vector<16xi32> to vector<32xbf16>
        %bitcast3A_284 = vector.bitcast %get3A_282 : vector<16xi32> to vector<32xbf16>
        %mul3A_285 = arith.mulf %bitcast3A_283, %bitcast3A_284 : vector<32xbf16>
        %bitcast3A_286 = vector.bitcast %mul3A_285 : vector<32xbf16> to vector<16xi32>
        %bitcast3A_287 = vector.bitcast %bitcast3A_286 : vector<16xi32> to vector<16xf32>
        %add3A_288 = arith.addf %add3A_270, %bitcast3A_287 : vector<16xf32>
        %shift_left3A_289 = arith.constant 16 : i32
        %shift_left3A_290 = vector.broadcast %shift_left3A_289 : i32 to vector<16xi32>
        %shift_left3A_291 = arith.shli %bitcast3A_286, %shift_left3A_290 : vector<16xi32>
        %bitcast3A_292 = vector.bitcast %shift_left3A_291 : vector<16xi32> to vector<16xf32>
        %add3A_293 = arith.addf %add3A_274, %bitcast3A_292 : vector<16xf32>
        %get3A_294 = arith.index_cast %select_n3A_152 : i32 to index
        %get3A_295 = arith.index_cast %add3A_254 : i32 to index
        %get3A_296 = arith.constant 32 : index
        %get3A_297 = tpu.vector_load %arg7[%get3A_294, %get3A_295, %get3A_296] {strides = array<i32>} : memref<4x80x64xi32, #tpu.memory_space<vmem>>, vector<16xi32>,
        %get3A_298 = arith.index_cast %select_n3A_152 : i32 to index
        %get3A_299 = arith.index_cast %add3A_254 : i32 to index
        %get3A_300 = arith.constant 32 : index
        %get3A_301 = tpu.vector_load %arg8[%get3A_298, %get3A_299, %get3A_300] {strides = array<i32>} : memref<4x80x64xi32, #tpu.memory_space<vmem>>, vector<16xi32>,
        %bitcast3A_302 = vector.bitcast %get3A_297 : vector<16xi32> to vector<32xbf16>
        %bitcast3A_303 = vector.bitcast %get3A_301 : vector<16xi32> to vector<32xbf16>
        %mul3A_304 = arith.mulf %bitcast3A_302, %bitcast3A_303 : vector<32xbf16>
        %bitcast3A_305 = vector.bitcast %mul3A_304 : vector<32xbf16> to vector<16xi32>
        %bitcast3A_306 = vector.bitcast %bitcast3A_305 : vector<16xi32> to vector<16xf32>
        %add3A_307 = arith.addf %add3A_288, %bitcast3A_306 : vector<16xf32>
        %shift_left3A_308 = arith.constant 16 : i32
        %shift_left3A_309 = vector.broadcast %shift_left3A_308 : i32 to vector<16xi32>
        %shift_left3A_310 = arith.shli %bitcast3A_305, %shift_left3A_309 : vector<16xi32>
        %bitcast3A_311 = vector.bitcast %shift_left3A_310 : vector<16xi32> to vector<16xf32>
        %add3A_312 = arith.addf %add3A_293, %bitcast3A_311 : vector<16xf32>
        %get3A_313 = arith.index_cast %select_n3A_152 : i32 to index
        %get3A_314 = arith.index_cast %add3A_254 : i32 to index
        %get3A_315 = arith.constant 48 : index
        %get3A_316 = tpu.vector_load %arg7[%get3A_313, %get3A_314, %get3A_315] {strides = array<i32>} : memref<4x80x64xi32, #tpu.memory_space<vmem>>, vector<16xi32>,
        %get3A_317 = arith.index_cast %select_n3A_152 : i32 to index
        %get3A_318 = arith.index_cast %add3A_254 : i32 to index
        %get3A_319 = arith.constant 48 : index
        %get3A_320 = tpu.vector_load %arg8[%get3A_317, %get3A_318, %get3A_319] {strides = array<i32>} : memref<4x80x64xi32, #tpu.memory_space<vmem>>, vector<16xi32>,
        %bitcast3A_321 = vector.bitcast %get3A_316 : vector<16xi32> to vector<32xbf16>
        %bitcast3A_322 = vector.bitcast %get3A_320 : vector<16xi32> to vector<32xbf16>
        %mul3A_323 = arith.mulf %bitcast3A_321, %bitcast3A_322 : vector<32xbf16>
        %bitcast3A_324 = vector.bitcast %mul3A_323 : vector<32xbf16> to vector<16xi32>
        %bitcast3A_325 = vector.bitcast %bitcast3A_324 : vector<16xi32> to vector<16xf32>
        %add3A_326 = arith.addf %add3A_307, %bitcast3A_325 : vector<16xf32>
        %shift_left3A_327 = arith.constant 16 : i32
        %shift_left3A_328 = vector.broadcast %shift_left3A_327 : i32 to vector<16xi32>
        %shift_left3A_329 = arith.shli %bitcast3A_324, %shift_left3A_328 : vector<16xi32>
        %bitcast3A_330 = vector.bitcast %shift_left3A_329 : vector<16xi32> to vector<16xf32>
        %add3A_331 = arith.addf %add3A_312, %bitcast3A_330 : vector<16xf32>
        %eq3A_332 = vector.broadcast %scan3A_251 : i32 to vector<16xi32>
        %eq3A_333 = arith.cmpi eq, %iota3A, %eq3A_332 : vector<16xi32>
        %add3A_334 = arith.addf %add3A_326, %add3A_331 : vector<16xf32>
        %reduce_sum3A = arith.constant true
        %reduce_sum3A_335 = vector.broadcast %reduce_sum3A : i1 to vector<16xi1>
        %reduce_sum3A_336 = tpu.scan <sum>, %add3A_334 masked %reduce_sum3A_335 : vector<16xf32>, vector<16xi1> -> vector<16xf32>
        %reduce_sum3A_337 = vector.extract %reduce_sum3A_336[15] : f32 from vector<16xf32>
        %broadcast_in_dim3A_338 = vector.broadcast %reduce_sum3A_337 : f32 to vector<16xf32>
        %select_n3A_339 = arith.select %eq3A_333, %broadcast_in_dim3A_338, %scan3A_252 : vector<16xi1>, vector<16xf32>
        %scan3A_340 = arith.constant 1 : i32
        %scan3A_341 = arith.addi %scan3A_251, %scan3A_340 : i32
        %add3A_342 = arith.constant 32 : i32
        %add3A_343 = arith.addi %add3A_342, %scan3A_341 : i32
        %broadcast_in_dim3A_344 = arith.constant 0.000000e+00 : f32
        %broadcast_in_dim3A_345 = vector.broadcast %broadcast_in_dim3A_344 : f32 to vector<16xf32>
        %broadcast_in_dim3A_346 = arith.constant 0.000000e+00 : f32
        %broadcast_in_dim3A_347 = vector.broadcast %broadcast_in_dim3A_346 : f32 to vector<16xf32>
        %get3A_348 = arith.index_cast %select_n3A_152 : i32 to index
        %get3A_349 = arith.index_cast %add3A_343 : i32 to index
        %get3A_350 = arith.constant 0 : index
        %get3A_351 = tpu.vector_load %arg7[%get3A_348, %get3A_349, %get3A_350] {strides = array<i32>} : memref<4x80x64xi32, #tpu.memory_space<vmem>>, vector<16xi32>,
        %get3A_352 = arith.index_cast %select_n3A_152 : i32 to index
        %get3A_353 = arith.index_cast %add3A_343 : i32 to index
        %get3A_354 = arith.constant 0 : index
        %get3A_355 = tpu.vector_load %arg8[%get3A_352, %get3A_353, %get3A_354] {strides = array<i32>} : memref<4x80x64xi32, #tpu.memory_space<vmem>>, vector<16xi32>,
        %bitcast3A_356 = vector.bitcast %get3A_351 : vector<16xi32> to vector<32xbf16>
        %bitcast3A_357 = vector.bitcast %get3A_355 : vector<16xi32> to vector<32xbf16>
        %mul3A_358 = arith.mulf %bitcast3A_356, %bitcast3A_357 : vector<32xbf16>
        %bitcast3A_359 = vector.bitcast %mul3A_358 : vector<32xbf16> to vector<16xi32>
        %bitcast3A_360 = vector.bitcast %bitcast3A_359 : vector<16xi32> to vector<16xf32>
        %add3A_361 = arith.addf %broadcast_in_dim3A_345, %bitcast3A_360 : vector<16xf32>
        %shift_left3A_362 = arith.constant 16 : i32
        %shift_left3A_363 = vector.broadcast %shift_left3A_362 : i32 to vector<16xi32>
        %shift_left3A_364 = arith.shli %bitcast3A_359, %shift_left3A_363 : vector<16xi32>
        %bitcast3A_365 = vector.bitcast %shift_left3A_364 : vector<16xi32> to vector<16xf32>
        %add3A_366 = arith.addf %broadcast_in_dim3A_347, %bitcast3A_365 : vector<16xf32>
        %get3A_367 = arith.index_cast %select_n3A_152 : i32 to index
        %get3A_368 = arith.index_cast %add3A_343 : i32 to index
        %get3A_369 = arith.constant 16 : index
        %get3A_370 = tpu.vector_load %arg7[%get3A_367, %get3A_368, %get3A_369] {strides = array<i32>} : memref<4x80x64xi32, #tpu.memory_space<vmem>>, vector<16xi32>,
        %get3A_371 = arith.index_cast %select_n3A_152 : i32 to index
        %get3A_372 = arith.index_cast %add3A_343 : i32 to index
        %get3A_373 = arith.constant 16 : index
        %get3A_374 = tpu.vector_load %arg8[%get3A_371, %get3A_372, %get3A_373] {strides = array<i32>} : memref<4x80x64xi32, #tpu.memory_space<vmem>>, vector<16xi32>,
        %bitcast3A_375 = vector.bitcast %get3A_370 : vector<16xi32> to vector<32xbf16>
        %bitcast3A_376 = vector.bitcast %get3A_374 : vector<16xi32> to vector<32xbf16>
        %mul3A_377 = arith.mulf %bitcast3A_375, %bitcast3A_376 : vector<32xbf16>
        %bitcast3A_378 = vector.bitcast %mul3A_377 : vector<32xbf16> to vector<16xi32>
        %bitcast3A_379 = vector.bitcast %bitcast3A_378 : vector<16xi32> to vector<16xf32>
        %add3A_380 = arith.addf %add3A_361, %bitcast3A_379 : vector<16xf32>
        %shift_left3A_381 = arith.constant 16 : i32
        %shift_left3A_382 = vector.broadcast %shift_left3A_381 : i32 to vector<16xi32>
        %shift_left3A_383 = arith.shli %bitcast3A_378, %shift_left3A_382 : vector<16xi32>
        %bitcast3A_384 = vector.bitcast %shift_left3A_383 : vector<16xi32> to vector<16xf32>
        %add3A_385 = arith.addf %add3A_366, %bitcast3A_384 : vector<16xf32>
        %get3A_386 = arith.index_cast %select_n3A_152 : i32 to index
        %get3A_387 = arith.index_cast %add3A_343 : i32 to index
        %get3A_388 = arith.constant 32 : index
        %get3A_389 = tpu.vector_load %arg7[%get3A_386, %get3A_387, %get3A_388] {strides = array<i32>} : memref<4x80x64xi32, #tpu.memory_space<vmem>>, vector<16xi32>,
        %get3A_390 = arith.index_cast %select_n3A_152 : i32 to index
        %get3A_391 = arith.index_cast %add3A_343 : i32 to index
        %get3A_392 = arith.constant 32 : index
        %get3A_393 = tpu.vector_load %arg8[%get3A_390, %get3A_391, %get3A_392] {strides = array<i32>} : memref<4x80x64xi32, #tpu.memory_space<vmem>>, vector<16xi32>,
        %bitcast3A_394 = vector.bitcast %get3A_389 : vector<16xi32> to vector<32xbf16>
        %bitcast3A_395 = vector.bitcast %get3A_393 : vector<16xi32> to vector<32xbf16>
        %mul3A_396 = arith.mulf %bitcast3A_394, %bitcast3A_395 : vector<32xbf16>
        %bitcast3A_397 = vector.bitcast %mul3A_396 : vector<32xbf16> to vector<16xi32>
        %bitcast3A_398 = vector.bitcast %bitcast3A_397 : vector<16xi32> to vector<16xf32>
        %add3A_399 = arith.addf %add3A_380, %bitcast3A_398 : vector<16xf32>
        %shift_left3A_400 = arith.constant 16 : i32
        %shift_left3A_401 = vector.broadcast %shift_left3A_400 : i32 to vector<16xi32>
        %shift_left3A_402 = arith.shli %bitcast3A_397, %shift_left3A_401 : vector<16xi32>
        %bitcast3A_403 = vector.bitcast %shift_left3A_402 : vector<16xi32> to vector<16xf32>
        %add3A_404 = arith.addf %add3A_385, %bitcast3A_403 : vector<16xf32>
        %get3A_405 = arith.index_cast %select_n3A_152 : i32 to index
        %get3A_406 = arith.index_cast %add3A_343 : i32 to index
        %get3A_407 = arith.constant 48 : index
        %get3A_408 = tpu.vector_load %arg7[%get3A_405, %get3A_406, %get3A_407] {strides = array<i32>} : memref<4x80x64xi32, #tpu.memory_space<vmem>>, vector<16xi32>,
        %get3A_409 = arith.index_cast %select_n3A_152 : i32 to index
        %get3A_410 = arith.index_cast %add3A_343 : i32 to index
        %get3A_411 = arith.constant 48 : index
        %get3A_412 = tpu.vector_load %arg8[%get3A_409, %get3A_410, %get3A_411] {strides = array<i32>} : memref<4x80x64xi32, #tpu.memory_space<vmem>>, vector<16xi32>,
        %bitcast3A_413 = vector.bitcast %get3A_408 : vector<16xi32> to vector<32xbf16>
        %bitcast3A_414 = vector.bitcast %get3A_412 : vector<16xi32> to vector<32xbf16>
        %mul3A_415 = arith.mulf %bitcast3A_413, %bitcast3A_414 : vector<32xbf16>
        %bitcast3A_416 = vector.bitcast %mul3A_415 : vector<32xbf16> to vector<16xi32>
        %bitcast3A_417 = vector.bitcast %bitcast3A_416 : vector<16xi32> to vector<16xf32>
        %add3A_418 = arith.addf %add3A_399, %bitcast3A_417 : vector<16xf32>
        %shift_left3A_419 = arith.constant 16 : i32
        %shift_left3A_420 = vector.broadcast %shift_left3A_419 : i32 to vector<16xi32>
        %shift_left3A_421 = arith.shli %bitcast3A_416, %shift_left3A_420 : vector<16xi32>
        %bitcast3A_422 = vector.bitcast %shift_left3A_421 : vector<16xi32> to vector<16xf32>
        %add3A_423 = arith.addf %add3A_404, %bitcast3A_422 : vector<16xf32>
        %eq3A_424 = vector.broadcast %scan3A_341 : i32 to vector<16xi32>
        %eq3A_425 = arith.cmpi eq, %iota3A, %eq3A_424 : vector<16xi32>
        %add3A_426 = arith.addf %add3A_418, %add3A_423 : vector<16xf32>
        %reduce_sum3A_427 = arith.constant true
        %reduce_sum3A_428 = vector.broadcast %reduce_sum3A_427 : i1 to vector<16xi1>
        %reduce_sum3A_429 = tpu.scan <sum>, %add3A_426 masked %reduce_sum3A_428 : vector<16xf32>, vector<16xi1> -> vector<16xf32>
        %reduce_sum3A_430 = vector.extract %reduce_sum3A_429[15] : f32 from vector<16xf32>
        %broadcast_in_dim3A_431 = vector.broadcast %reduce_sum3A_430 : f32 to vector<16xf32>
        %select_n3A_432 = arith.select %eq3A_425, %broadcast_in_dim3A_431, %select_n3A_339 : vector<16xi1>, vector<16xf32>
        scf.yield %select_n3A_432 : vector<16xf32>
      }
      %scan3A_212 = arith.constant 16 : i32
      %swap3A_213 = arith.index_cast %select_n3A_152 : i32 to index
      %swap3A_214 = arith.constant 32 : index
      %swap3A_215 = tpu.vector_load %arg9[%swap3A_213, %swap3A_214] {strides = array<i32>} : memref<4x80xf32, #tpu.memory_space<vmem>>, vector<16xf32>,
      tpu.vector_store %arg9[%swap3A_213, %swap3A_214], %scan3A_211 {strides = array<i32>} : memref<4x80xf32, #tpu.memory_space<vmem>>, vector<16xf32>,
      %broadcast_in_dim3A_216 = arith.constant 0.000000e+00 : f32
      %broadcast_in_dim3A_217 = vector.broadcast %broadcast_in_dim3A_216 : f32 to vector<16xf32>
      %scan3A_218 = arith.constant 0 : i32
      %scan3A_219 = arith.constant 16 : i32
      %scan3A_220 = arith.addi %scan3A_218, %scan3A_219 : i32
      %scan3A_221 = arith.constant 2 : i32
      %scan3A_222 = scf.for %scan3A_251 = %scan3A_218 to %scan3A_220 step %scan3A_221 iter_args(%scan3A_252 = %broadcast_in_dim3A_217) -> (vector<16xf32>)  : i32 {
        %add3A_253 = arith.constant 48 : i32
        %add3A_254 = arith.addi %add3A_253, %scan3A_251 : i32
        %broadcast_in_dim3A_255 = arith.constant 0.000000e+00 : f32
        %broadcast_in_dim3A_256 = vector.broadcast %broadcast_in_dim3A_255 : f32 to vector<16xf32>
        %broadcast_in_dim3A_257 = arith.constant 0.000000e+00 : f32
        %broadcast_in_dim3A_258 = vector.broadcast %broadcast_in_dim3A_257 : f32 to vector<16xf32>
        %get3A = arith.index_cast %select_n3A_152 : i32 to index
        %get3A_259 = arith.index_cast %add3A_254 : i32 to index
        %get3A_260 = arith.constant 0 : index
        %get3A_261 = tpu.vector_load %arg7[%get3A, %get3A_259, %get3A_260] {strides = array<i32>} : memref<4x80x64xi32, #tpu.memory_space<vmem>>, vector<16xi32>,
        %get3A_262 = arith.index_cast %select_n3A_152 : i32 to index
        %get3A_263 = arith.index_cast %add3A_254 : i32 to index
        %get3A_264 = arith.constant 0 : index
        %get3A_265 = tpu.vector_load %arg8[%get3A_262, %get3A_263, %get3A_264] {strides = array<i32>} : memref<4x80x64xi32, #tpu.memory_space<vmem>>, vector<16xi32>,
        %bitcast3A = vector.bitcast %get3A_261 : vector<16xi32> to vector<32xbf16>
        %bitcast3A_266 = vector.bitcast %get3A_265 : vector<16xi32> to vector<32xbf16>
        %mul3A_267 = arith.mulf %bitcast3A, %bitcast3A_266 : vector<32xbf16>
        %bitcast3A_268 = vector.bitcast %mul3A_267 : vector<32xbf16> to vector<16xi32>
        %bitcast3A_269 = vector.bitcast %bitcast3A_268 : vector<16xi32> to vector<16xf32>
        %add3A_270 = arith.addf %broadcast_in_dim3A_256, %bitcast3A_269 : vector<16xf32>
        %shift_left3A = arith.constant 16 : i32
        %shift_left3A_271 = vector.broadcast %shift_left3A : i32 to vector<16xi32>
        %shift_left3A_272 = arith.shli %bitcast3A_268, %shift_left3A_271 : vector<16xi32>
        %bitcast3A_273 = vector.bitcast %shift_left3A_272 : vector<16xi32> to vector<16xf32>
        %add3A_274 = arith.addf %broadcast_in_dim3A_258, %bitcast3A_273 : vector<16xf32>
        %get3A_275 = arith.index_cast %select_n3A_152 : i32 to index
        %get3A_276 = arith.index_cast %add3A_254 : i32 to index
        %get3A_277 = arith.constant 16 : index
        %get3A_278 = tpu.vector_load %arg7[%get3A_275, %get3A_276, %get3A_277] {strides = array<i32>} : memref<4x80x64xi32, #tpu.memory_space<vmem>>, vector<16xi32>,
        %get3A_279 = arith.index_cast %select_n3A_152 : i32 to index
        %get3A_280 = arith.index_cast %add3A_254 : i32 to index
        %get3A_281 = arith.constant 16 : index
        %get3A_282 = tpu.vector_load %arg8[%get3A_279, %get3A_280, %get3A_281] {strides = array<i32>} : memref<4x80x64xi32, #tpu.memory_space<vmem>>, vector<16xi32>,
        %bitcast3A_283 = vector.bitcast %get3A_278 : vector<16xi32> to vector<32xbf16>
        %bitcast3A_284 = vector.bitcast %get3A_282 : vector<16xi32> to vector<32xbf16>
        %mul3A_285 = arith.mulf %bitcast3A_283, %bitcast3A_284 : vector<32xbf16>
        %bitcast3A_286 = vector.bitcast %mul3A_285 : vector<32xbf16> to vector<16xi32>
        %bitcast3A_287 = vector.bitcast %bitcast3A_286 : vector<16xi32> to vector<16xf32>
        %add3A_288 = arith.addf %add3A_270, %bitcast3A_287 : vector<16xf32>
        %shift_left3A_289 = arith.constant 16 : i32
        %shift_left3A_290 = vector.broadcast %shift_left3A_289 : i32 to vector<16xi32>
        %shift_left3A_291 = arith.shli %bitcast3A_286, %shift_left3A_290 : vector<16xi32>
        %bitcast3A_292 = vector.bitcast %shift_left3A_291 : vector<16xi32> to vector<16xf32>
        %add3A_293 = arith.addf %add3A_274, %bitcast3A_292 : vector<16xf32>
        %get3A_294 = arith.index_cast %select_n3A_152 : i32 to index
        %get3A_295 = arith.index_cast %add3A_254 : i32 to index
        %get3A_296 = arith.constant 32 : index
        %get3A_297 = tpu.vector_load %arg7[%get3A_294, %get3A_295, %get3A_296] {strides = array<i32>} : memref<4x80x64xi32, #tpu.memory_space<vmem>>, vector<16xi32>,
        %get3A_298 = arith.index_cast %select_n3A_152 : i32 to index
        %get3A_299 = arith.index_cast %add3A_254 : i32 to index
        %get3A_300 = arith.constant 32 : index
        %get3A_301 = tpu.vector_load %arg8[%get3A_298, %get3A_299, %get3A_300] {strides = array<i32>} : memref<4x80x64xi32, #tpu.memory_space<vmem>>, vector<16xi32>,
        %bitcast3A_302 = vector.bitcast %get3A_297 : vector<16xi32> to vector<32xbf16>
        %bitcast3A_303 = vector.bitcast %get3A_301 : vector<16xi32> to vector<32xbf16>
        %mul3A_304 = arith.mulf %bitcast3A_302, %bitcast3A_303 : vector<32xbf16>
        %bitcast3A_305 = vector.bitcast %mul3A_304 : vector<32xbf16> to vector<16xi32>
        %bitcast3A_306 = vector.bitcast %bitcast3A_305 : vector<16xi32> to vector<16xf32>
        %add3A_307 = arith.addf %add3A_288, %bitcast3A_306 : vector<16xf32>
        %shift_left3A_308 = arith.constant 16 : i32
        %shift_left3A_309 = vector.broadcast %shift_left3A_308 : i32 to vector<16xi32>
        %shift_left3A_310 = arith.shli %bitcast3A_305, %shift_left3A_309 : vector<16xi32>
        %bitcast3A_311 = vector.bitcast %shift_left3A_310 : vector<16xi32> to vector<16xf32>
        %add3A_312 = arith.addf %add3A_293, %bitcast3A_311 : vector<16xf32>
        %get3A_313 = arith.index_cast %select_n3A_152 : i32 to index
        %get3A_314 = arith.index_cast %add3A_254 : i32 to index
        %get3A_315 = arith.constant 48 : index
        %get3A_316 = tpu.vector_load %arg7[%get3A_313, %get3A_314, %get3A_315] {strides = array<i32>} : memref<4x80x64xi32, #tpu.memory_space<vmem>>, vector<16xi32>,
        %get3A_317 = arith.index_cast %select_n3A_152 : i32 to index
        %get3A_318 = arith.index_cast %add3A_254 : i32 to index
        %get3A_319 = arith.constant 48 : index
        %get3A_320 = tpu.vector_load %arg8[%get3A_317, %get3A_318, %get3A_319] {strides = array<i32>} : memref<4x80x64xi32, #tpu.memory_space<vmem>>, vector<16xi32>,
        %bitcast3A_321 = vector.bitcast %get3A_316 : vector<16xi32> to vector<32xbf16>
        %bitcast3A_322 = vector.bitcast %get3A_320 : vector<16xi32> to vector<32xbf16>
        %mul3A_323 = arith.mulf %bitcast3A_321, %bitcast3A_322 : vector<32xbf16>
        %bitcast3A_324 = vector.bitcast %mul3A_323 : vector<32xbf16> to vector<16xi32>
        %bitcast3A_325 = vector.bitcast %bitcast3A_324 : vector<16xi32> to vector<16xf32>
        %add3A_326 = arith.addf %add3A_307, %bitcast3A_325 : vector<16xf32>
        %shift_left3A_327 = arith.constant 16 : i32
        %shift_left3A_328 = vector.broadcast %shift_left3A_327 : i32 to vector<16xi32>
        %shift_left3A_329 = arith.shli %bitcast3A_324, %shift_left3A_328 : vector<16xi32>
        %bitcast3A_330 = vector.bitcast %shift_left3A_329 : vector<16xi32> to vector<16xf32>
        %add3A_331 = arith.addf %add3A_312, %bitcast3A_330 : vector<16xf32>
        %eq3A_332 = vector.broadcast %scan3A_251 : i32 to vector<16xi32>
        %eq3A_333 = arith.cmpi eq, %iota3A, %eq3A_332 : vector<16xi32>
        %add3A_334 = arith.addf %add3A_326, %add3A_331 : vector<16xf32>
        %reduce_sum3A = arith.constant true
        %reduce_sum3A_335 = vector.broadcast %reduce_sum3A : i1 to vector<16xi1>
        %reduce_sum3A_336 = tpu.scan <sum>, %add3A_334 masked %reduce_sum3A_335 : vector<16xf32>, vector<16xi1> -> vector<16xf32>
        %reduce_sum3A_337 = vector.extract %reduce_sum3A_336[15] : f32 from vector<16xf32>
        %broadcast_in_dim3A_338 = vector.broadcast %reduce_sum3A_337 : f32 to vector<16xf32>
        %select_n3A_339 = arith.select %eq3A_333, %broadcast_in_dim3A_338, %scan3A_252 : vector<16xi1>, vector<16xf32>
        %scan3A_340 = arith.constant 1 : i32
        %scan3A_341 = arith.addi %scan3A_251, %scan3A_340 : i32
        %add3A_342 = arith.constant 48 : i32
        %add3A_343 = arith.addi %add3A_342, %scan3A_341 : i32
        %broadcast_in_dim3A_344 = arith.constant 0.000000e+00 : f32
        %broadcast_in_dim3A_345 = vector.broadcast %broadcast_in_dim3A_344 : f32 to vector<16xf32>
        %broadcast_in_dim3A_346 = arith.constant 0.000000e+00 : f32
        %broadcast_in_dim3A_347 = vector.broadcast %broadcast_in_dim3A_346 : f32 to vector<16xf32>
        %get3A_348 = arith.index_cast %select_n3A_152 : i32 to index
        %get3A_349 = arith.index_cast %add3A_343 : i32 to index
        %get3A_350 = arith.constant 0 : index
        %get3A_351 = tpu.vector_load %arg7[%get3A_348, %get3A_349, %get3A_350] {strides = array<i32>} : memref<4x80x64xi32, #tpu.memory_space<vmem>>, vector<16xi32>,
        %get3A_352 = arith.index_cast %select_n3A_152 : i32 to index
        %get3A_353 = arith.index_cast %add3A_343 : i32 to index
        %get3A_354 = arith.constant 0 : index
        %get3A_355 = tpu.vector_load %arg8[%get3A_352, %get3A_353, %get3A_354] {strides = array<i32>} : memref<4x80x64xi32, #tpu.memory_space<vmem>>, vector<16xi32>,
        %bitcast3A_356 = vector.bitcast %get3A_351 : vector<16xi32> to vector<32xbf16>
        %bitcast3A_357 = vector.bitcast %get3A_355 : vector<16xi32> to vector<32xbf16>
        %mul3A_358 = arith.mulf %bitcast3A_356, %bitcast3A_357 : vector<32xbf16>
        %bitcast3A_359 = vector.bitcast %mul3A_358 : vector<32xbf16> to vector<16xi32>
        %bitcast3A_360 = vector.bitcast %bitcast3A_359 : vector<16xi32> to vector<16xf32>
        %add3A_361 = arith.addf %broadcast_in_dim3A_345, %bitcast3A_360 : vector<16xf32>
        %shift_left3A_362 = arith.constant 16 : i32
        %shift_left3A_363 = vector.broadcast %shift_left3A_362 : i32 to vector<16xi32>
        %shift_left3A_364 = arith.shli %bitcast3A_359, %shift_left3A_363 : vector<16xi32>
        %bitcast3A_365 = vector.bitcast %shift_left3A_364 : vector<16xi32> to vector<16xf32>
        %add3A_366 = arith.addf %broadcast_in_dim3A_347, %bitcast3A_365 : vector<16xf32>
        %get3A_367 = arith.index_cast %select_n3A_152 : i32 to index
        %get3A_368 = arith.index_cast %add3A_343 : i32 to index
        %get3A_369 = arith.constant 16 : index
        %get3A_370 = tpu.vector_load %arg7[%get3A_367, %get3A_368, %get3A_369] {strides = array<i32>} : memref<4x80x64xi32, #tpu.memory_space<vmem>>, vector<16xi32>,
        %get3A_371 = arith.index_cast %select_n3A_152 : i32 to index
        %get3A_372 = arith.index_cast %add3A_343 : i32 to index
        %get3A_373 = arith.constant 16 : index
        %get3A_374 = tpu.vector_load %arg8[%get3A_371, %get3A_372, %get3A_373] {strides = array<i32>} : memref<4x80x64xi32, #tpu.memory_space<vmem>>, vector<16xi32>,
        %bitcast3A_375 = vector.bitcast %get3A_370 : vector<16xi32> to vector<32xbf16>
        %bitcast3A_376 = vector.bitcast %get3A_374 : vector<16xi32> to vector<32xbf16>
        %mul3A_377 = arith.mulf %bitcast3A_375, %bitcast3A_376 : vector<32xbf16>
        %bitcast3A_378 = vector.bitcast %mul3A_377 : vector<32xbf16> to vector<16xi32>
        %bitcast3A_379 = vector.bitcast %bitcast3A_378 : vector<16xi32> to vector<16xf32>
        %add3A_380 = arith.addf %add3A_361, %bitcast3A_379 : vector<16xf32>
        %shift_left3A_381 = arith.constant 16 : i32
        %shift_left3A_382 = vector.broadcast %shift_left3A_381 : i32 to vector<16xi32>
        %shift_left3A_383 = arith.shli %bitcast3A_378, %shift_left3A_382 : vector<16xi32>
        %bitcast3A_384 = vector.bitcast %shift_left3A_383 : vector<16xi32> to vector<16xf32>
        %add3A_385 = arith.addf %add3A_366, %bitcast3A_384 : vector<16xf32>
        %get3A_386 = arith.index_cast %select_n3A_152 : i32 to index
        %get3A_387 = arith.index_cast %add3A_343 : i32 to index
        %get3A_388 = arith.constant 32 : index
        %get3A_389 = tpu.vector_load %arg7[%get3A_386, %get3A_387, %get3A_388] {strides = array<i32>} : memref<4x80x64xi32, #tpu.memory_space<vmem>>, vector<16xi32>,
        %get3A_390 = arith.index_cast %select_n3A_152 : i32 to index
        %get3A_391 = arith.index_cast %add3A_343 : i32 to index
        %get3A_392 = arith.constant 32 : index
        %get3A_393 = tpu.vector_load %arg8[%get3A_390, %get3A_391, %get3A_392] {strides = array<i32>} : memref<4x80x64xi32, #tpu.memory_space<vmem>>, vector<16xi32>,
        %bitcast3A_394 = vector.bitcast %get3A_389 : vector<16xi32> to vector<32xbf16>
        %bitcast3A_395 = vector.bitcast %get3A_393 : vector<16xi32> to vector<32xbf16>
        %mul3A_396 = arith.mulf %bitcast3A_394, %bitcast3A_395 : vector<32xbf16>
        %bitcast3A_397 = vector.bitcast %mul3A_396 : vector<32xbf16> to vector<16xi32>
        %bitcast3A_398 = vector.bitcast %bitcast3A_397 : vector<16xi32> to vector<16xf32>
        %add3A_399 = arith.addf %add3A_380, %bitcast3A_398 : vector<16xf32>
        %shift_left3A_400 = arith.constant 16 : i32
        %shift_left3A_401 = vector.broadcast %shift_left3A_400 : i32 to vector<16xi32>
        %shift_left3A_402 = arith.shli %bitcast3A_397, %shift_left3A_401 : vector<16xi32>
        %bitcast3A_403 = vector.bitcast %shift_left3A_402 : vector<16xi32> to vector<16xf32>
        %add3A_404 = arith.addf %add3A_385, %bitcast3A_403 : vector<16xf32>
        %get3A_405 = arith.index_cast %select_n3A_152 : i32 to index
        %get3A_406 = arith.index_cast %add3A_343 : i32 to index
        %get3A_407 = arith.constant 48 : index
        %get3A_408 = tpu.vector_load %arg7[%get3A_405, %get3A_406, %get3A_407] {strides = array<i32>} : memref<4x80x64xi32, #tpu.memory_space<vmem>>, vector<16xi32>,
        %get3A_409 = arith.index_cast %select_n3A_152 : i32 to index
        %get3A_410 = arith.index_cast %add3A_343 : i32 to index
        %get3A_411 = arith.constant 48 : index
        %get3A_412 = tpu.vector_load %arg8[%get3A_409, %get3A_410, %get3A_411] {strides = array<i32>} : memref<4x80x64xi32, #tpu.memory_space<vmem>>, vector<16xi32>,
        %bitcast3A_413 = vector.bitcast %get3A_408 : vector<16xi32> to vector<32xbf16>
        %bitcast3A_414 = vector.bitcast %get3A_412 : vector<16xi32> to vector<32xbf16>
        %mul3A_415 = arith.mulf %bitcast3A_413, %bitcast3A_414 : vector<32xbf16>
        %bitcast3A_416 = vector.bitcast %mul3A_415 : vector<32xbf16> to vector<16xi32>
        %bitcast3A_417 = vector.bitcast %bitcast3A_416 : vector<16xi32> to vector<16xf32>
        %add3A_418 = arith.addf %add3A_399, %bitcast3A_417 : vector<16xf32>
        %shift_left3A_419 = arith.constant 16 : i32
        %shift_left3A_420 = vector.broadcast %shift_left3A_419 : i32 to vector<16xi32>
        %shift_left3A_421 = arith.shli %bitcast3A_416, %shift_left3A_420 : vector<16xi32>
        %bitcast3A_422 = vector.bitcast %shift_left3A_421 : vector<16xi32> to vector<16xf32>
        %add3A_423 = arith.addf %add3A_404, %bitcast3A_422 : vector<16xf32>
        %eq3A_424 = vector.broadcast %scan3A_341 : i32 to vector<16xi32>
        %eq3A_425 = arith.cmpi eq, %iota3A, %eq3A_424 : vector<16xi32>
        %add3A_426 = arith.addf %add3A_418, %add3A_423 : vector<16xf32>
        %reduce_sum3A_427 = arith.constant true
        %reduce_sum3A_428 = vector.broadcast %reduce_sum3A_427 : i1 to vector<16xi1>
        %reduce_sum3A_429 = tpu.scan <sum>, %add3A_426 masked %reduce_sum3A_428 : vector<16xf32>, vector<16xi1> -> vector<16xf32>
        %reduce_sum3A_430 = vector.extract %reduce_sum3A_429[15] : f32 from vector<16xf32>
        %broadcast_in_dim3A_431 = vector.broadcast %reduce_sum3A_430 : f32 to vector<16xf32>
        %select_n3A_432 = arith.select %eq3A_425, %broadcast_in_dim3A_431, %select_n3A_339 : vector<16xi1>, vector<16xf32>
        scf.yield %select_n3A_432 : vector<16xf32>
      }
      %scan3A_223 = arith.constant 16 : i32
      %swap3A_224 = arith.index_cast %select_n3A_152 : i32 to index
      %swap3A_225 = arith.constant 48 : index
      %swap3A_226 = tpu.vector_load %arg9[%swap3A_224, %swap3A_225] {strides = array<i32>} : memref<4x80xf32, #tpu.memory_space<vmem>>, vector<16xf32>,
      tpu.vector_store %arg9[%swap3A_224, %swap3A_225], %scan3A_222 {strides = array<i32>} : memref<4x80xf32, #tpu.memory_space<vmem>>, vector<16xf32>,
      %broadcast_in_dim3A_227 = arith.constant 0.000000e+00 : f32
      %broadcast_in_dim3A_228 = vector.broadcast %broadcast_in_dim3A_227 : f32 to vector<16xf32>
      %scan3A_229 = arith.constant 0 : i32
      %scan3A_230 = arith.constant 16 : i32
      %scan3A_231 = arith.addi %scan3A_229, %scan3A_230 : i32
      %scan3A_232 = arith.constant 2 : i32
      %scan3A_233 = scf.for %scan3A_251 = %scan3A_229 to %scan3A_231 step %scan3A_232 iter_args(%scan3A_252 = %broadcast_in_dim3A_228) -> (vector<16xf32>)  : i32 {
        %add3A_253 = arith.constant 64 : i32
        %add3A_254 = arith.addi %add3A_253, %scan3A_251 : i32
        %broadcast_in_dim3A_255 = arith.constant 0.000000e+00 : f32
        %broadcast_in_dim3A_256 = vector.broadcast %broadcast_in_dim3A_255 : f32 to vector<16xf32>
        %broadcast_in_dim3A_257 = arith.constant 0.000000e+00 : f32
        %broadcast_in_dim3A_258 = vector.broadcast %broadcast_in_dim3A_257 : f32 to vector<16xf32>
        %get3A = arith.index_cast %select_n3A_152 : i32 to index
        %get3A_259 = arith.index_cast %add3A_254 : i32 to index
        %get3A_260 = arith.constant 0 : index
        %get3A_261 = tpu.vector_load %arg7[%get3A, %get3A_259, %get3A_260] {strides = array<i32>} : memref<4x80x64xi32, #tpu.memory_space<vmem>>, vector<16xi32>,
        %get3A_262 = arith.index_cast %select_n3A_152 : i32 to index
        %get3A_263 = arith.index_cast %add3A_254 : i32 to index
        %get3A_264 = arith.constant 0 : index
        %get3A_265 = tpu.vector_load %arg8[%get3A_262, %get3A_263, %get3A_264] {strides = array<i32>} : memref<4x80x64xi32, #tpu.memory_space<vmem>>, vector<16xi32>,
        %bitcast3A = vector.bitcast %get3A_261 : vector<16xi32> to vector<32xbf16>
        %bitcast3A_266 = vector.bitcast %get3A_265 : vector<16xi32> to vector<32xbf16>
        %mul3A_267 = arith.mulf %bitcast3A, %bitcast3A_266 : vector<32xbf16>
        %bitcast3A_268 = vector.bitcast %mul3A_267 : vector<32xbf16> to vector<16xi32>
        %bitcast3A_269 = vector.bitcast %bitcast3A_268 : vector<16xi32> to vector<16xf32>
        %add3A_270 = arith.addf %broadcast_in_dim3A_256, %bitcast3A_269 : vector<16xf32>
        %shift_left3A = arith.constant 16 : i32
        %shift_left3A_271 = vector.broadcast %shift_left3A : i32 to vector<16xi32>
        %shift_left3A_272 = arith.shli %bitcast3A_268, %shift_left3A_271 : vector<16xi32>
        %bitcast3A_273 = vector.bitcast %shift_left3A_272 : vector<16xi32> to vector<16xf32>
        %add3A_274 = arith.addf %broadcast_in_dim3A_258, %bitcast3A_273 : vector<16xf32>
        %get3A_275 = arith.index_cast %select_n3A_152 : i32 to index
        %get3A_276 = arith.index_cast %add3A_254 : i32 to index
        %get3A_277 = arith.constant 16 : index
        %get3A_278 = tpu.vector_load %arg7[%get3A_275, %get3A_276, %get3A_277] {strides = array<i32>} : memref<4x80x64xi32, #tpu.memory_space<vmem>>, vector<16xi32>,
        %get3A_279 = arith.index_cast %select_n3A_152 : i32 to index
        %get3A_280 = arith.index_cast %add3A_254 : i32 to index
        %get3A_281 = arith.constant 16 : index
        %get3A_282 = tpu.vector_load %arg8[%get3A_279, %get3A_280, %get3A_281] {strides = array<i32>} : memref<4x80x64xi32, #tpu.memory_space<vmem>>, vector<16xi32>,
        %bitcast3A_283 = vector.bitcast %get3A_278 : vector<16xi32> to vector<32xbf16>
        %bitcast3A_284 = vector.bitcast %get3A_282 : vector<16xi32> to vector<32xbf16>
        %mul3A_285 = arith.mulf %bitcast3A_283, %bitcast3A_284 : vector<32xbf16>
        %bitcast3A_286 = vector.bitcast %mul3A_285 : vector<32xbf16> to vector<16xi32>
        %bitcast3A_287 = vector.bitcast %bitcast3A_286 : vector<16xi32> to vector<16xf32>
        %add3A_288 = arith.addf %add3A_270, %bitcast3A_287 : vector<16xf32>
        %shift_left3A_289 = arith.constant 16 : i32
        %shift_left3A_290 = vector.broadcast %shift_left3A_289 : i32 to vector<16xi32>
        %shift_left3A_291 = arith.shli %bitcast3A_286, %shift_left3A_290 : vector<16xi32>
        %bitcast3A_292 = vector.bitcast %shift_left3A_291 : vector<16xi32> to vector<16xf32>
        %add3A_293 = arith.addf %add3A_274, %bitcast3A_292 : vector<16xf32>
        %get3A_294 = arith.index_cast %select_n3A_152 : i32 to index
        %get3A_295 = arith.index_cast %add3A_254 : i32 to index
        %get3A_296 = arith.constant 32 : index
        %get3A_297 = tpu.vector_load %arg7[%get3A_294, %get3A_295, %get3A_296] {strides = array<i32>} : memref<4x80x64xi32, #tpu.memory_space<vmem>>, vector<16xi32>,
        %get3A_298 = arith.index_cast %select_n3A_152 : i32 to index
        %get3A_299 = arith.index_cast %add3A_254 : i32 to index
        %get3A_300 = arith.constant 32 : index
        %get3A_301 = tpu.vector_load %arg8[%get3A_298, %get3A_299, %get3A_300] {strides = array<i32>} : memref<4x80x64xi32, #tpu.memory_space<vmem>>, vector<16xi32>,
        %bitcast3A_302 = vector.bitcast %get3A_297 : vector<16xi32> to vector<32xbf16>
        %bitcast3A_303 = vector.bitcast %get3A_301 : vector<16xi32> to vector<32xbf16>
        %mul3A_304 = arith.mulf %bitcast3A_302, %bitcast3A_303 : vector<32xbf16>
        %bitcast3A_305 = vector.bitcast %mul3A_304 : vector<32xbf16> to vector<16xi32>
        %bitcast3A_306 = vector.bitcast %bitcast3A_305 : vector<16xi32> to vector<16xf32>
        %add3A_307 = arith.addf %add3A_288, %bitcast3A_306 : vector<16xf32>
        %shift_left3A_308 = arith.constant 16 : i32
        %shift_left3A_309 = vector.broadcast %shift_left3A_308 : i32 to vector<16xi32>
        %shift_left3A_310 = arith.shli %bitcast3A_305, %shift_left3A_309 : vector<16xi32>
        %bitcast3A_311 = vector.bitcast %shift_left3A_310 : vector<16xi32> to vector<16xf32>
        %add3A_312 = arith.addf %add3A_293, %bitcast3A_311 : vector<16xf32>
        %get3A_313 = arith.index_cast %select_n3A_152 : i32 to index
        %get3A_314 = arith.index_cast %add3A_254 : i32 to index
        %get3A_315 = arith.constant 48 : index
        %get3A_316 = tpu.vector_load %arg7[%get3A_313, %get3A_314, %get3A_315] {strides = array<i32>} : memref<4x80x64xi32, #tpu.memory_space<vmem>>, vector<16xi32>,
        %get3A_317 = arith.index_cast %select_n3A_152 : i32 to index
        %get3A_318 = arith.index_cast %add3A_254 : i32 to index
        %get3A_319 = arith.constant 48 : index
        %get3A_320 = tpu.vector_load %arg8[%get3A_317, %get3A_318, %get3A_319] {strides = array<i32>} : memref<4x80x64xi32, #tpu.memory_space<vmem>>, vector<16xi32>,
        %bitcast3A_321 = vector.bitcast %get3A_316 : vector<16xi32> to vector<32xbf16>
        %bitcast3A_322 = vector.bitcast %get3A_320 : vector<16xi32> to vector<32xbf16>
        %mul3A_323 = arith.mulf %bitcast3A_321, %bitcast3A_322 : vector<32xbf16>
        %bitcast3A_324 = vector.bitcast %mul3A_323 : vector<32xbf16> to vector<16xi32>
        %bitcast3A_325 = vector.bitcast %bitcast3A_324 : vector<16xi32> to vector<16xf32>
        %add3A_326 = arith.addf %add3A_307, %bitcast3A_325 : vector<16xf32>
        %shift_left3A_327 = arith.constant 16 : i32
        %shift_left3A_328 = vector.broadcast %shift_left3A_327 : i32 to vector<16xi32>
        %shift_left3A_329 = arith.shli %bitcast3A_324, %shift_left3A_328 : vector<16xi32>
        %bitcast3A_330 = vector.bitcast %shift_left3A_329 : vector<16xi32> to vector<16xf32>
        %add3A_331 = arith.addf %add3A_312, %bitcast3A_330 : vector<16xf32>
        %eq3A_332 = vector.broadcast %scan3A_251 : i32 to vector<16xi32>
        %eq3A_333 = arith.cmpi eq, %iota3A, %eq3A_332 : vector<16xi32>
        %add3A_334 = arith.addf %add3A_326, %add3A_331 : vector<16xf32>
        %reduce_sum3A = arith.constant true
        %reduce_sum3A_335 = vector.broadcast %reduce_sum3A : i1 to vector<16xi1>
        %reduce_sum3A_336 = tpu.scan <sum>, %add3A_334 masked %reduce_sum3A_335 : vector<16xf32>, vector<16xi1> -> vector<16xf32>
        %reduce_sum3A_337 = vector.extract %reduce_sum3A_336[15] : f32 from vector<16xf32>
        %broadcast_in_dim3A_338 = vector.broadcast %reduce_sum3A_337 : f32 to vector<16xf32>
        %select_n3A_339 = arith.select %eq3A_333, %broadcast_in_dim3A_338, %scan3A_252 : vector<16xi1>, vector<16xf32>
        %scan3A_340 = arith.constant 1 : i32
        %scan3A_341 = arith.addi %scan3A_251, %scan3A_340 : i32
        %add3A_342 = arith.constant 64 : i32
        %add3A_343 = arith.addi %add3A_342, %scan3A_341 : i32
        %broadcast_in_dim3A_344 = arith.constant 0.000000e+00 : f32
        %broadcast_in_dim3A_345 = vector.broadcast %broadcast_in_dim3A_344 : f32 to vector<16xf32>
        %broadcast_in_dim3A_346 = arith.constant 0.000000e+00 : f32
        %broadcast_in_dim3A_347 = vector.broadcast %broadcast_in_dim3A_346 : f32 to vector<16xf32>
        %get3A_348 = arith.index_cast %select_n3A_152 : i32 to index
        %get3A_349 = arith.index_cast %add3A_343 : i32 to index
        %get3A_350 = arith.constant 0 : index
        %get3A_351 = tpu.vector_load %arg7[%get3A_348, %get3A_349, %get3A_350] {strides = array<i32>} : memref<4x80x64xi32, #tpu.memory_space<vmem>>, vector<16xi32>,
        %get3A_352 = arith.index_cast %select_n3A_152 : i32 to index
        %get3A_353 = arith.index_cast %add3A_343 : i32 to index
        %get3A_354 = arith.constant 0 : index
        %get3A_355 = tpu.vector_load %arg8[%get3A_352, %get3A_353, %get3A_354] {strides = array<i32>} : memref<4x80x64xi32, #tpu.memory_space<vmem>>, vector<16xi32>,
        %bitcast3A_356 = vector.bitcast %get3A_351 : vector<16xi32> to vector<32xbf16>
        %bitcast3A_357 = vector.bitcast %get3A_355 : vector<16xi32> to vector<32xbf16>
        %mul3A_358 = arith.mulf %bitcast3A_356, %bitcast3A_357 : vector<32xbf16>
        %bitcast3A_359 = vector.bitcast %mul3A_358 : vector<32xbf16> to vector<16xi32>
        %bitcast3A_360 = vector.bitcast %bitcast3A_359 : vector<16xi32> to vector<16xf32>
        %add3A_361 = arith.addf %broadcast_in_dim3A_345, %bitcast3A_360 : vector<16xf32>
        %shift_left3A_362 = arith.constant 16 : i32
        %shift_left3A_363 = vector.broadcast %shift_left3A_362 : i32 to vector<16xi32>
        %shift_left3A_364 = arith.shli %bitcast3A_359, %shift_left3A_363 : vector<16xi32>
        %bitcast3A_365 = vector.bitcast %shift_left3A_364 : vector<16xi32> to vector<16xf32>
        %add3A_366 = arith.addf %broadcast_in_dim3A_347, %bitcast3A_365 : vector<16xf32>
        %get3A_367 = arith.index_cast %select_n3A_152 : i32 to index
        %get3A_368 = arith.index_cast %add3A_343 : i32 to index
        %get3A_369 = arith.constant 16 : index
        %get3A_370 = tpu.vector_load %arg7[%get3A_367, %get3A_368, %get3A_369] {strides = array<i32>} : memref<4x80x64xi32, #tpu.memory_space<vmem>>, vector<16xi32>,
        %get3A_371 = arith.index_cast %select_n3A_152 : i32 to index
        %get3A_372 = arith.index_cast %add3A_343 : i32 to index
        %get3A_373 = arith.constant 16 : index
        %get3A_374 = tpu.vector_load %arg8[%get3A_371, %get3A_372, %get3A_373] {strides = array<i32>} : memref<4x80x64xi32, #tpu.memory_space<vmem>>, vector<16xi32>,
        %bitcast3A_375 = vector.bitcast %get3A_370 : vector<16xi32> to vector<32xbf16>
        %bitcast3A_376 = vector.bitcast %get3A_374 : vector<16xi32> to vector<32xbf16>
        %mul3A_377 = arith.mulf %bitcast3A_375, %bitcast3A_376 : vector<32xbf16>
        %bitcast3A_378 = vector.bitcast %mul3A_377 : vector<32xbf16> to vector<16xi32>
        %bitcast3A_379 = vector.bitcast %bitcast3A_378 : vector<16xi32> to vector<16xf32>
        %add3A_380 = arith.addf %add3A_361, %bitcast3A_379 : vector<16xf32>
        %shift_left3A_381 = arith.constant 16 : i32
        %shift_left3A_382 = vector.broadcast %shift_left3A_381 : i32 to vector<16xi32>
        %shift_left3A_383 = arith.shli %bitcast3A_378, %shift_left3A_382 : vector<16xi32>
        %bitcast3A_384 = vector.bitcast %shift_left3A_383 : vector<16xi32> to vector<16xf32>
        %add3A_385 = arith.addf %add3A_366, %bitcast3A_384 : vector<16xf32>
        %get3A_386 = arith.index_cast %select_n3A_152 : i32 to index
        %get3A_387 = arith.index_cast %add3A_343 : i32 to index
        %get3A_388 = arith.constant 32 : index
        %get3A_389 = tpu.vector_load %arg7[%get3A_386, %get3A_387, %get3A_388] {strides = array<i32>} : memref<4x80x64xi32, #tpu.memory_space<vmem>>, vector<16xi32>,
        %get3A_390 = arith.index_cast %select_n3A_152 : i32 to index
        %get3A_391 = arith.index_cast %add3A_343 : i32 to index
        %get3A_392 = arith.constant 32 : index
        %get3A_393 = tpu.vector_load %arg8[%get3A_390, %get3A_391, %get3A_392] {strides = array<i32>} : memref<4x80x64xi32, #tpu.memory_space<vmem>>, vector<16xi32>,
        %bitcast3A_394 = vector.bitcast %get3A_389 : vector<16xi32> to vector<32xbf16>
        %bitcast3A_395 = vector.bitcast %get3A_393 : vector<16xi32> to vector<32xbf16>
        %mul3A_396 = arith.mulf %bitcast3A_394, %bitcast3A_395 : vector<32xbf16>
        %bitcast3A_397 = vector.bitcast %mul3A_396 : vector<32xbf16> to vector<16xi32>
        %bitcast3A_398 = vector.bitcast %bitcast3A_397 : vector<16xi32> to vector<16xf32>
        %add3A_399 = arith.addf %add3A_380, %bitcast3A_398 : vector<16xf32>
        %shift_left3A_400 = arith.constant 16 : i32
        %shift_left3A_401 = vector.broadcast %shift_left3A_400 : i32 to vector<16xi32>
        %shift_left3A_402 = arith.shli %bitcast3A_397, %shift_left3A_401 : vector<16xi32>
        %bitcast3A_403 = vector.bitcast %shift_left3A_402 : vector<16xi32> to vector<16xf32>
        %add3A_404 = arith.addf %add3A_385, %bitcast3A_403 : vector<16xf32>
        %get3A_405 = arith.index_cast %select_n3A_152 : i32 to index
        %get3A_406 = arith.index_cast %add3A_343 : i32 to index
        %get3A_407 = arith.constant 48 : index
        %get3A_408 = tpu.vector_load %arg7[%get3A_405, %get3A_406, %get3A_407] {strides = array<i32>} : memref<4x80x64xi32, #tpu.memory_space<vmem>>, vector<16xi32>,
        %get3A_409 = arith.index_cast %select_n3A_152 : i32 to index
        %get3A_410 = arith.index_cast %add3A_343 : i32 to index
        %get3A_411 = arith.constant 48 : index
        %get3A_412 = tpu.vector_load %arg8[%get3A_409, %get3A_410, %get3A_411] {strides = array<i32>} : memref<4x80x64xi32, #tpu.memory_space<vmem>>, vector<16xi32>,
        %bitcast3A_413 = vector.bitcast %get3A_408 : vector<16xi32> to vector<32xbf16>
        %bitcast3A_414 = vector.bitcast %get3A_412 : vector<16xi32> to vector<32xbf16>
        %mul3A_415 = arith.mulf %bitcast3A_413, %bitcast3A_414 : vector<32xbf16>
        %bitcast3A_416 = vector.bitcast %mul3A_415 : vector<32xbf16> to vector<16xi32>
        %bitcast3A_417 = vector.bitcast %bitcast3A_416 : vector<16xi32> to vector<16xf32>
        %add3A_418 = arith.addf %add3A_399, %bitcast3A_417 : vector<16xf32>
        %shift_left3A_419 = arith.constant 16 : i32
        %shift_left3A_420 = vector.broadcast %shift_left3A_419 : i32 to vector<16xi32>
        %shift_left3A_421 = arith.shli %bitcast3A_416, %shift_left3A_420 : vector<16xi32>
        %bitcast3A_422 = vector.bitcast %shift_left3A_421 : vector<16xi32> to vector<16xf32>
        %add3A_423 = arith.addf %add3A_404, %bitcast3A_422 : vector<16xf32>
        %eq3A_424 = vector.broadcast %scan3A_341 : i32 to vector<16xi32>
        %eq3A_425 = arith.cmpi eq, %iota3A, %eq3A_424 : vector<16xi32>
        %add3A_426 = arith.addf %add3A_418, %add3A_423 : vector<16xf32>
        %reduce_sum3A_427 = arith.constant true
        %reduce_sum3A_428 = vector.broadcast %reduce_sum3A_427 : i1 to vector<16xi1>
        %reduce_sum3A_429 = tpu.scan <sum>, %add3A_426 masked %reduce_sum3A_428 : vector<16xf32>, vector<16xi1> -> vector<16xf32>
        %reduce_sum3A_430 = vector.extract %reduce_sum3A_429[15] : f32 from vector<16xf32>
        %broadcast_in_dim3A_431 = vector.broadcast %reduce_sum3A_430 : f32 to vector<16xf32>
        %select_n3A_432 = arith.select %eq3A_425, %broadcast_in_dim3A_431, %select_n3A_339 : vector<16xi1>, vector<16xf32>
        scf.yield %select_n3A_432 : vector<16xf32>
      }
      %scan3A_234 = arith.constant 16 : i32
      %swap3A_235 = arith.index_cast %select_n3A_152 : i32 to index
      %swap3A_236 = arith.constant 64 : index
      %swap3A_237 = tpu.vector_load %arg9[%swap3A_235, %swap3A_236] {strides = array<i32>} : memref<4x80xf32, #tpu.memory_space<vmem>>, vector<16xf32>,
      tpu.vector_store %arg9[%swap3A_235, %swap3A_236], %scan3A_233 {strides = array<i32>} : memref<4x80xf32, #tpu.memory_space<vmem>>, vector<16xf32>,
      %mul3A_238 = arith.constant 80 : i32
      %mul3A_239 = arith.muli %scan3A_143, %mul3A_238 : i32
      %add3A_240 = arith.addi %mul3A_2, %mul3A_239 : i32
      %dma_start3A_241 = arith.constant 0 : i32
      %dma_start3A_242 = tpu.memref_slice %arg9[%select_n3A_152, %dma_start3A_241] : memref<4x80xf32, #tpu.memory_space<vmem>> -> memref<1x80xf32, #tpu.memory_space<vmem>>
      %dma_start3A_243 = tpu.memref_squeeze %dma_start3A_242 : memref<1x80xf32, #tpu.memory_space<vmem>> -> memref<80xf32, #tpu.memory_space<vmem>>
      %dma_start3A_244 = tpu.memref_slice %arg4[%add3A_240] : memref<320000xf32, #tpu.memory_space<hbm>> -> memref<80xf32, #tpu.memory_space<hbm>>
      %dma_start3A_245 = tpu.memref_slice %arg12[%select_n3A_152] : memref<4x!tpu.dma_semaphore, #tpu.memory_space<semaphore_mem>> -> memref<1x!tpu.dma_semaphore, #tpu.memory_space<semaphore_mem>>
      %dma_start3A_246 = tpu.memref_squeeze %dma_start3A_245 : memref<1x!tpu.dma_semaphore, #tpu.memory_space<semaphore_mem>> -> memref<!tpu.dma_semaphore, #tpu.memory_space<semaphore_mem>>
      %dma_start3A_247 = tpu.memref_slice %arg4[%add3A_240] : memref<320000xf32, #tpu.memory_space<hbm>> -> memref<80xf32, #tpu.memory_space<hbm>>
      %dma_start3A_248 = arith.constant 0 : i32
      %dma_start3A_249 = tpu.memref_slice %arg9[%select_n3A_152, %dma_start3A_248] : memref<4x80xf32, #tpu.memory_space<vmem>> -> memref<1x80xf32, #tpu.memory_space<vmem>>
      %dma_start3A_250 = tpu.memref_squeeze %dma_start3A_249 : memref<1x80xf32, #tpu.memory_space<vmem>> -> memref<80xf32, #tpu.memory_space<vmem>>
      tpu.enqueue_dma source(%dma_start3A_250 : memref<80xf32, #tpu.memory_space<vmem>>) target(%dma_start3A_247 : memref<80xf32, #tpu.memory_space<hbm>>) target_semaphore(%dma_start3A_246 : memref<!tpu.dma_semaphore, #tpu.memory_space<semaphore_mem>>)
    }
    %scan3A_87 = arith.constant 125 : i32
    %add3A_88 = arith.constant 9680 : i32
    %add3A_89 = arith.addi %mul3A_2, %add3A_88 : i32
    %dma_wait3A = arith.constant 1 : i32
    %dma_wait3A_90 = arith.constant 1 : i32
    %dma_wait3A_91 = arith.constant 0 : i32
    %dma_wait3A_92 = tpu.memref_slice %arg9[%dma_wait3A, %dma_wait3A_91] : memref<4x80xf32, #tpu.memory_space<vmem>> -> memref<1x80xf32, #tpu.memory_space<vmem>>
    %dma_wait3A_93 = tpu.memref_squeeze %dma_wait3A_92 : memref<1x80xf32, #tpu.memory_space<vmem>> -> memref<80xf32, #tpu.memory_space<vmem>>
    %dma_wait3A_94 = tpu.memref_slice %arg4[%add3A_89] : memref<320000xf32, #tpu.memory_space<hbm>> -> memref<80xf32, #tpu.memory_space<hbm>>
    %dma_wait3A_95 = tpu.memref_slice %arg12[%dma_wait3A_90] : memref<4x!tpu.dma_semaphore, #tpu.memory_space<semaphore_mem>> -> memref<1x!tpu.dma_semaphore, #tpu.memory_space<semaphore_mem>>
    %dma_wait3A_96 = tpu.memref_squeeze %dma_wait3A_95 : memref<1x!tpu.dma_semaphore, #tpu.memory_space<semaphore_mem>> -> memref<!tpu.dma_semaphore, #tpu.memory_space<semaphore_mem>>
    %dma_wait3A_97 = tpu.memref_slice %arg4[%add3A_89] : memref<320000xf32, #tpu.memory_space<hbm>> -> memref<80xf32, #tpu.memory_space<hbm>>
    %dma_wait3A_98 = arith.constant 0 : i32
    %dma_wait3A_99 = tpu.memref_slice %arg9[%dma_wait3A, %dma_wait3A_98] : memref<4x80xf32, #tpu.memory_space<vmem>> -> memref<1x80xf32, #tpu.memory_space<vmem>>
    %dma_wait3A_100 = tpu.memref_squeeze %dma_wait3A_99 : memref<1x80xf32, #tpu.memory_space<vmem>> -> memref<80xf32, #tpu.memory_space<vmem>>
    tpu.wait_dma2 semaphore(%dma_wait3A_96 : memref<!tpu.dma_semaphore, #tpu.memory_space<semaphore_mem>>) src(%dma_wait3A_100 : memref<80xf32, #tpu.memory_space<vmem>>) dst(%dma_wait3A_97 : memref<80xf32, #tpu.memory_space<hbm>>)
    %add3A_101 = arith.constant 9760 : i32
    %add3A_102 = arith.addi %mul3A_2, %add3A_101 : i32
    %dma_wait3A_103 = arith.constant 2 : i32
    %dma_wait3A_104 = arith.constant 2 : i32
    %dma_wait3A_105 = arith.constant 0 : i32
    %dma_wait3A_106 = tpu.memref_slice %arg9[%dma_wait3A_103, %dma_wait3A_105] : memref<4x80xf32, #tpu.memory_space<vmem>> -> memref<1x80xf32, #tpu.memory_space<vmem>>
    %dma_wait3A_107 = tpu.memref_squeeze %dma_wait3A_106 : memref<1x80xf32, #tpu.memory_space<vmem>> -> memref<80xf32, #tpu.memory_space<vmem>>
    %dma_wait3A_108 = tpu.memref_slice %arg4[%add3A_102] : memref<320000xf32, #tpu.memory_space<hbm>> -> memref<80xf32, #tpu.memory_space<hbm>>
    %dma_wait3A_109 = tpu.memref_slice %arg12[%dma_wait3A_104] : memref<4x!tpu.dma_semaphore, #tpu.memory_space<semaphore_mem>> -> memref<1x!tpu.dma_semaphore, #tpu.memory_space<semaphore_mem>>
    %dma_wait3A_110 = tpu.memref_squeeze %dma_wait3A_109 : memref<1x!tpu.dma_semaphore, #tpu.memory_space<semaphore_mem>> -> memref<!tpu.dma_semaphore, #tpu.memory_space<semaphore_mem>>
    %dma_wait3A_111 = tpu.memref_slice %arg4[%add3A_102] : memref<320000xf32, #tpu.memory_space<hbm>> -> memref<80xf32, #tpu.memory_space<hbm>>
    %dma_wait3A_112 = arith.constant 0 : i32
    %dma_wait3A_113 = tpu.memref_slice %arg9[%dma_wait3A_103, %dma_wait3A_112] : memref<4x80xf32, #tpu.memory_space<vmem>> -> memref<1x80xf32, #tpu.memory_space<vmem>>
    %dma_wait3A_114 = tpu.memref_squeeze %dma_wait3A_113 : memref<1x80xf32, #tpu.memory_space<vmem>> -> memref<80xf32, #tpu.memory_space<vmem>>
    tpu.wait_dma2 semaphore(%dma_wait3A_110 : memref<!tpu.dma_semaphore, #tpu.memory_space<semaphore_mem>>) src(%dma_wait3A_114 : memref<80xf32, #tpu.memory_space<vmem>>) dst(%dma_wait3A_111 : memref<80xf32, #tpu.memory_space<hbm>>)
    %add3A_115 = arith.constant 9840 : i32
    %add3A_116 = arith.addi %mul3A_2, %add3A_115 : i32
    %dma_wait3A_117 = arith.constant 3 : i32
    %dma_wait3A_118 = arith.constant 3 : i32
    %dma_wait3A_119 = arith.constant 0 : i32
    %dma_wait3A_120 = tpu.memref_slice %arg9[%dma_wait3A_117, %dma_wait3A_119] : memref<4x80xf32, #tpu.memory_space<vmem>> -> memref<1x80xf32, #tpu.memory_space<vmem>>
    %dma_wait3A_121 = tpu.memref_squeeze %dma_wait3A_120 : memref<1x80xf32, #tpu.memory_space<vmem>> -> memref<80xf32, #tpu.memory_space<vmem>>
    %dma_wait3A_122 = tpu.memref_slice %arg4[%add3A_116] : memref<320000xf32, #tpu.memory_space<hbm>> -> memref<80xf32, #tpu.memory_space<hbm>>
    %dma_wait3A_123 = tpu.memref_slice %arg12[%dma_wait3A_118] : memref<4x!tpu.dma_semaphore, #tpu.memory_space<semaphore_mem>> -> memref<1x!tpu.dma_semaphore, #tpu.memory_space<semaphore_mem>>
    %dma_wait3A_124 = tpu.memref_squeeze %dma_wait3A_123 : memref<1x!tpu.dma_semaphore, #tpu.memory_space<semaphore_mem>> -> memref<!tpu.dma_semaphore, #tpu.memory_space<semaphore_mem>>
    %dma_wait3A_125 = tpu.memref_slice %arg4[%add3A_116] : memref<320000xf32, #tpu.memory_space<hbm>> -> memref<80xf32, #tpu.memory_space<hbm>>
    %dma_wait3A_126 = arith.constant 0 : i32
    %dma_wait3A_127 = tpu.memref_slice %arg9[%dma_wait3A_117, %dma_wait3A_126] : memref<4x80xf32, #tpu.memory_space<vmem>> -> memref<1x80xf32, #tpu.memory_space<vmem>>
    %dma_wait3A_128 = tpu.memref_squeeze %dma_wait3A_127 : memref<1x80xf32, #tpu.memory_space<vmem>> -> memref<80xf32, #tpu.memory_space<vmem>>
    tpu.wait_dma2 semaphore(%dma_wait3A_124 : memref<!tpu.dma_semaphore, #tpu.memory_space<semaphore_mem>>) src(%dma_wait3A_128 : memref<80xf32, #tpu.memory_space<vmem>>) dst(%dma_wait3A_125 : memref<80xf32, #tpu.memory_space<hbm>>)
    %add3A_129 = arith.constant 9920 : i32
    %add3A_130 = arith.addi %mul3A_2, %add3A_129 : i32
    %dma_wait3A_131 = arith.constant 0 : i32
    %dma_wait3A_132 = arith.constant 0 : i32
    %dma_wait3A_133 = arith.constant 0 : i32
    %dma_wait3A_134 = tpu.memref_slice %arg9[%dma_wait3A_131, %dma_wait3A_133] : memref<4x80xf32, #tpu.memory_space<vmem>> -> memref<1x80xf32, #tpu.memory_space<vmem>>
    %dma_wait3A_135 = tpu.memref_squeeze %dma_wait3A_134 : memref<1x80xf32, #tpu.memory_space<vmem>> -> memref<80xf32, #tpu.memory_space<vmem>>
    %dma_wait3A_136 = tpu.memref_slice %arg4[%add3A_130] : memref<320000xf32, #tpu.memory_space<hbm>> -> memref<80xf32, #tpu.memory_space<hbm>>
    %dma_wait3A_137 = tpu.memref_slice %arg12[%dma_wait3A_132] : memref<4x!tpu.dma_semaphore, #tpu.memory_space<semaphore_mem>> -> memref<1x!tpu.dma_semaphore, #tpu.memory_space<semaphore_mem>>
    %dma_wait3A_138 = tpu.memref_squeeze %dma_wait3A_137 : memref<1x!tpu.dma_semaphore, #tpu.memory_space<semaphore_mem>> -> memref<!tpu.dma_semaphore, #tpu.memory_space<semaphore_mem>>
    %dma_wait3A_139 = tpu.memref_slice %arg4[%add3A_130] : memref<320000xf32, #tpu.memory_space<hbm>> -> memref<80xf32, #tpu.memory_space<hbm>>
    %dma_wait3A_140 = arith.constant 0 : i32
    %dma_wait3A_141 = tpu.memref_slice %arg9[%dma_wait3A_131, %dma_wait3A_140] : memref<4x80xf32, #tpu.memory_space<vmem>> -> memref<1x80xf32, #tpu.memory_space<vmem>>
    %dma_wait3A_142 = tpu.memref_squeeze %dma_wait3A_141 : memref<1x80xf32, #tpu.memory_space<vmem>> -> memref<80xf32, #tpu.memory_space<vmem>>
    tpu.wait_dma2 semaphore(%dma_wait3A_138 : memref<!tpu.dma_semaphore, #tpu.memory_space<semaphore_mem>>) src(%dma_wait3A_142 : memref<80xf32, #tpu.memory_space<vmem>>) dst(%dma_wait3A_139 : memref<80xf32, #tpu.memory_space<hbm>>)
    return
  }
}

</mosaic_0001>

<sc_bundles>
// kernel: _sc_dot.3.cloned.1.call-start
scs
__scs_entry_jumppad:
0x0: {  	(pc) =	sbr.rel $0x88, $3  }
0x1: {  	(tag) =	ssettag $0x0;
	lr =	simm.s32 $0x1  }
0x2: {  	[smem:$0x3F9F] =	sst lr;
	_ =	strace $0xD0000000  }
0x3: {  	_ = 	snop  }
0x4: {  	_ = 	snop  }
0x5: {  	_ = 	snop  }
0x6: {  	_ = 	snop  }
0x7: {  	_ = 	snop  }
__scs_overlays_trampoline_lowered:
0x8: {  	[smem:$0x3FAE] =	sst s0  }
0x9: {  	[smem:$0x3FAF] =	sst s1  }
0xa: {  	[smem:$0x3FB0] =	sst s2  }
0xb: {  	[smem:$0x3FB1] =	sst s3  }
0xc: {  	[smem:$0x3FB2] =	sst s4  }
0xd: {  	[smem:$0x3FB3] =	sst s5  }
0xe: {  	[smem:$0x3FB4] =	sst s6  }
0xf: {  	[smem:$0x3FB5] =	sst s7  }
0x10: {  	[smem:$0x3FB6] =	sst s8  }
0x11: {  	[smem:$0x3FB7] =	sst s9;
	s0 =	simm.s32 @!p0 $0x0  }
0x12: {  	s1 =	sld [smem:$0x3F9D];
	s0 =	simm.s32 @p0 $0x1  }
0x13: {  	[smem:$0x3FB8] =	sst s0;
	s0 =	simm.s32 @!p1 $0x0  }
0x14: {  	s2 =	sld [smem:$0x3F9C];
	s0 =	simm.s32 @p1 $0x1  }
0x15: {  	[smem:$0x3FB9] =	sst s0;
	s0 =	simm.s32 @!p2 $0x0  }
0x16: {  	s3 =	sld [smem:$0x3FDB];
	s0 =	simm.s32 @p2 $0x1  }
0x17: {  	s4 =	simm.s32 $0x1BF5;
	[smem:$0x3FBB] =	sst s0  }
0x18: {  	s0 =	sld [smem:$0x3F9E];
	_ =	swait.ge [sflag:s4], $0x0  }
0x19: {  	s7 =	sld [smem:$0x3F9F]  }
0x1a: {  	s8 =	sadd.s32 $0xFFFFE003, lr  }
0x1b: {  	s9 =	sadd.s32 $0xFFFFFEF7, lr;
	s5 =	simm.s32 $0xFFFFFFFF;
	p2 =	slt.u32 s8, $0xFFFFF086  }
0x1c: {  	p1 =	slt.u32 s9, $0xF7A;
	s5 =	simm.s32 @!p2 $0x0  }
0x1d: {  	s5 =	simm.s32 @p1 $0x1;
	p0 =	seq.s32 s7, s2  }
0x1e: {  	s7 =	smul.u32 @!p0 $0xF7A, s2;
	p2 =	seq.s32 @!p0 s5, $0x0  }
0x1f: {  	s9 =	smul.u32 $0xF7A, s1;
	s8 =	simm.s32 @!p0 $0x1BF5;
	p2 =	por !p2, p0  }
0x20: {  	[sflag:s8] =	ssyncset.s32 @!p0 $0xFFFFF086;
	s6 =	sadd.s32 @!p0 s3, s7;
	s7 =	simm.s32 @!p0 $0x108  }
0x21: {  	s3 =	sadd.s32 s3, s9;
	s6 =	sadd.s32 @!p0 $0x88, s6;
	s7 =	simm.s32 @p2 $0x1082  }
0x22: {  	[simem:s7], [sflag:s8] =	dma.local @!p0 [hbm:s6], $0xF7A  }
0x23: {  	s9 =	sor.u32 $0xD0000000, s2;
	s6 =	simm.s32 $0x108;
	_ =	swait.ge @!p0 [sflag:s8], $0x0  }
0x24: {  	s3 =	sadd.s32 $0x88, s3;
	s6 =	simm.s32 @!p1 $0x1082;
	[sflag:s4] =	ssyncset.s32 $0xFFFFF086  }
0x25: {  	[simem:s6], [sflag:s4] =	dma.local [hbm:s3], $0xF7A  }
0x26: {  	[smem:$0x3F9F] =	sst s1;
	(tag) =	ssettag s2;
	_ =	strace s9  }
0x27: {  	s1 =	sld [smem:$0x3FAF]  }
0x28: {  	s2 =	sld [smem:$0x3FB0]  }
0x29: {  	s4 =	sld [smem:$0x3FB2]  }
0x2a: {  	p0 =	seq.s32 s5, $0x0;
	s5 =	sld [smem:$0x3FB3]  }
0x2b: {  	s6 =	sld [smem:$0x3FB4]  }
0x2c: {  	s7 =	sld [smem:$0x3FB5]  }
0x2d: {  	s3 =	simm.s32 $0x108;
	s8 =	sld [smem:$0x3FB6]  }
0x2e: {  	s3 =	simm.s32 @!p0 $0x1082;
	s9 =	sld [smem:$0x3FB7]  }
0x2f: {  	lr =	sadd.s32 s0, s3;
	s0 =	sld [smem:$0x3FAE]  }
0x30: {  	s3 =	sld [smem:$0x3FB1]  }
0x31: {  	[smem:$0x3FBA] =	sst s10  }
0x32: {  	s10 =	sld [smem:$0x3FB8];
	_ =	sdelay $0x3  }
0x33: {  	p0 =	seq.s32 s10, $0x1;
	s10 =	sld [smem:$0x3FBA];
	_ =	sdelay $0x3  }
0x34: {  	[smem:$0x3FBA] =	sst s10  }
0x35: {  	s10 =	sld [smem:$0x3FB9];
	_ =	sdelay $0x3  }
0x36: {  	p1 =	seq.s32 s10, $0x1;
	s10 =	sld [smem:$0x3FBA];
	_ =	sdelay $0x3  }
0x37: {  	[smem:$0x3FBA] =	sst s10  }
0x38: {  	s10 =	sld [smem:$0x3FBB]  }
0x39: {  	_ = 	snop;
	(pc) =	sbr.ind lr, $3  }
0x3a: {  	_ = 	snop  }
0x3b: {  	_ = 	snop  }
0x3c: {  	p2 =	seq.s32 s10, $0x1;
	s10 =	sld [smem:$0x3FBA]  }
0x3d: {  	_ =	shalt  }
0x3e: {  	_ =	shalt  }
0x3f: {  	_ =	shalt  }
0x40: {  	_ =	shalt  }
0x41: {  	_ =	shalt  }
0x42: {  	_ =	shalt  }
0x43: {  	_ =	shalt  }
0x44: {  	_ =	shalt  }
0x45: {  	_ =	shalt  }
0x46: {  	_ =	shalt  }
0x47: {  	_ =	shalt  }
0x48: {  	_ =	shalt  }
0x49: {  	_ =	shalt  }
0x4a: {  	_ =	shalt  }
0x4b: {  	_ =	shalt  }
0x4c: {  	_ =	shalt  }
0x4d: {  	_ =	shalt  }
0x4e: {  	_ =	shalt  }
0x4f: {  	_ =	shalt  }
0x50: {  	_ =	shalt  }
0x51: {  	_ =	shalt  }
0x52: {  	_ =	shalt  }
0x53: {  	_ =	shalt  }
0x54: {  	_ =	shalt  }
0x55: {  	_ =	shalt  }
0x56: {  	_ =	shalt  }
0x57: {  	_ =	shalt  }
0x58: {  	_ =	shalt  }
0x59: {  	_ =	shalt  }
0x5a: {  	_ =	shalt  }
0x5b: {  	_ =	shalt  }
0x5c: {  	_ =	shalt  }
0x5d: {  	_ =	shalt  }
0x5e: {  	_ =	shalt  }
0x5f: {  	_ =	shalt  }
0x60: {  	_ =	shalt  }
0x61: {  	_ =	shalt  }
0x62: {  	_ =	shalt  }
0x63: {  	_ =	shalt  }
0x64: {  	_ =	shalt  }
0x65: {  	_ =	shalt  }
0x66: {  	_ =	shalt  }
0x67: {  	_ =	shalt  }
0x68: {  	_ =	shalt  }
0x69: {  	_ =	shalt  }
0x6a: {  	_ =	shalt  }
0x6b: {  	_ =	shalt  }
0x6c: {  	_ =	shalt  }
0x6d: {  	_ =	shalt  }
0x6e: {  	_ =	shalt  }
0x6f: {  	_ =	shalt  }
0x70: {  	_ =	shalt  }
0x71: {  	_ =	shalt  }
0x72: {  	_ =	shalt  }
0x73: {  	_ =	shalt  }
0x74: {  	_ =	shalt  }
0x75: {  	_ =	shalt  }
0x76: {  	_ =	shalt  }
0x77: {  	_ =	shalt  }
0x78: {  	_ =	shalt  }
0x79: {  	_ =	shalt  }
0x7a: {  	_ =	shalt  }
0x7b: {  	_ =	shalt  }
0x7c: {  	_ =	shalt  }
0x7d: {  	_ =	shalt  }
0x7e: {  	_ =	shalt  }
0x7f: {  	_ =	shalt  }
0x80: {  	_ =	shalt  }
0x81: {  	_ =	shalt  }
0x82: {  	_ =	shalt  }
0x83: {  	_ =	shalt  }
0x84: {  	_ =	shalt  }
0x85: {  	_ =	shalt  }
0x86: {  	_ =	shalt  }
0x87: {  	_ =	shalt  }
.Lfunc_end0:
.L_simem_size_0:
called_computation_lowered:
.L_overlay_start_0:
0x88: {  	s2 =	sld [smem:$0x3FD9]  }
0x89: {  	s3 =	sld [smem:$0x3FFE];
	_ =	sdelay $0x1  }
0x8a: {  	s1 =	srdreg.scid  }
0x8b: {  	s0 =	sand.u32 $0x1, s1  }
0x8c: {  	s17 =	sshll.u32 s0, $0xA;
	s2 =	sadd.s32 s3, s2  }
0x8d: {  	s2 =	sadd.s32 s2, s17  }
0x8e: {  	[smem:$0x3FC6] =	sst s2  }
0x8f: {  	_ = 	snop  }
0x90: {  	s2 =	sld [smem:$0x3FD0];
	(tm) =	ssettm $0x1  }
0x91: {  	s18 =	sld [smem:$0x3FFB];
	_ =	sdelay $0x3  }
0x92: {  	_ =	strace s18  }
0x93: {  	s3 =	sld [smem:$0x3FFC];
	_ =	sdelay $0x3  }
0x94: {  	_ =	strace s3  }
0x95: {  	s3 =	sld [smem:$0x3FFD];
	_ =	sdelay $0x3  }
0x96: {  	_ =	strace s3  }
0x97: {  	_ =	strace $0x8FFFFFFF  }
0x98: {  	s19 =	sld [smem:$0x3FDB];
	_ =	sdelay $0x1  }
0x99: {  	s4 =	simm.s32 $_scs_section_size  }
0x9a: {  	s5 =	simm.s32 $_size__tile_overlayer_lowered;
	s6 =	simm.s32 $_tile_overlayer_lowered  }
0x9b: {  	s22 =	simm.s32 $0x1BFF;
	s21 =	sshll.u32 s6, $0x1;
	s3 =	sadd.s32 s4, s19  }
0x9c: {  	s7 =	simm.s32 $0x0;
	s20 =	sshll.u32 s5, $0x1;
	s5 =	sadd.s32 s21, s3  }
0x9d: {  	[timem:s7], [sflag:s22] =	dma.local [hbm:s5], s20  }
0x9e: {  	_ =	swait.ge [sflag:s22], s20  }
0x9f: {  	s4 =	ssub.s32 $0x0, s20;
	[sflag:s22] =	ssyncset.done $0x0  }
0xa0: {  	[sflag:s22] =	ssyncadd.s32 s4;
	_ =	sdelay $0x1  }
0xa1: {  	s23 =	simm.s32 $0x1B8B  }
0xa2: {  	_ =	swait.ge [sflag:s23], $0x1  }
0xa3: {  	[sflag:s23] =	ssyncset.done $0x0  }
0xa4: {  	s25 =	simm.s32 $0x1B8E;
	s24 =	sld [smem:$0x3FFE];
	[sflag:s23] =	ssyncadd.s32 $0xFFFFFFFF  }
0xa5: {  	s26 =	simm.s32 $execute0_lowered;
	[smem:$0x3FD2] =	sst s25  }
0xa6: {  	s5 =	sshll.u32 s26, $0x1;
	_ =	strace $0x80000046;
	[dreg:$0x1] =	wrdreg $0xFFFFFFFF  }
0xa7: {  	s28 =	simm.s32 $_size_execute0_lowered;
	s3 =	sadd.s32 s3, s5;
	[dreg:$0x0] =	wrdreg $0x0  }
0xa8: {  	s5 =	sshll.u32 s28, $0x1;
	[dreg:$0x2] =	wrdreg s3  }
0xa9: {  	[dreg:$0x3] =	wrdreg s5  }
0xaa: {  	[dreg:$0x4] =	wrdreg $0xC0  }
0xab: {  	_ =	task [dreg:s7], $0x5FFFF  }
0xac: {  	[dreg:$0x1] =	wrdreg $0xFFFFFFFF  }
0xad: {  	[dreg:$0x0] =	wrdreg $0x60  }
0xae: {  	[dreg:$0x2] =	wrdreg s24  }
0xaf: {  	[dreg:$0x3] =	wrdreg s2  }
0xb0: {  	[dreg:$0x4] =	wrdreg $0xEF600  }
0xb1: {  	[dreg:$0x5] =	wrdreg $0x9  }
0xb2: {  	_ =	task.clear_ibuf [dreg:s7], $0x6FFFF;
	_ =	strace $0x90000046  }
0xb3: {  	s29 =	simm.s32 $0x9;
	_ =	strace $0x80000048  }
0xb4: {  	_ =	swait.ge [sflag:s29], $0x1  }
0xb5: {  	[sflag:s29] =	ssyncadd.s32 $0xFFFFFFFF  }
0xb6: {  	_ =	strace $0x90000048  }
0xb7: {  	_ =	sfence  }
0xb8: {  	s30 =	sld [smem:$0x0];
	_ =	sdelay $0x2  }
0xb9: {  	s31 =	sshll.u32 s1, $0xD;
	s1 =	sshrl.u32 s1, $0x2  }
0xba: {  	s3 =	sand.u32 $0x4000, s31;
	s1 =	sadd.s32 s1, s30  }
0xbb: {  	s0 =	sor.u32 s3, s0;
	s1 =	sshll.u32 s1, $0x11  }
0xbc: {  	s0 =	sor.u32 s1, s0  }
0xbd: {  	s0 =	sadd.s32 $0x8F2B, s0  }
0xbe: {  	[sflag:s0] =	ssyncadd.remote.s32 $0x1  }
0xbf: {  	_ =	sfence.sel $0xFFFF  }
0xc0: {  	[dreg:$0x0] =	wrdreg $0xFFFFFFFF;
	(pc) =	sbr.abs _section_cstart, $3  }
0xc1: {  	[dreg:$0x1] =	wrdreg $0xFFFFFFFF  }
0xc2: {  	_ =	task.clear_ibuf [dreg:s7], $0x2FFFF;
	_ =	strace $0x9FFFFFFF  }
0xc3: {  	(tm) =	ssettm $0x7FFFFFFF  }
tec
execute0_lowered:
.L_overlay_start_1:
0x0: {  	(tag) =	ssettag $0x1  }
0x1: {  	s0 =	rddreg [dreg:$0x0]  }
0x2: {  	s1 =	srdreg.scid;
	s2 =	rddreg [dreg:$0x1]  }
0x3: {  	s10 =	stileid.u32;
	s3 =	rddreg [dreg:$0x2]  }
0x4: {  	s12 =	simm.s32 $0x9;
	s14 =	simm.s32 $0x50;
	s24 =	simm.s32 $0x6  }
0x5: {  	s25 =	simm.s32 $0x7;
	s28 =	simm.s32 $0x5;
	s29 =	simm.s32 $0x0  }
0x6: {  	s1 =	sand.u32 $0x1, s1;
	s4 =	sshll.u32 s10, $0x1;
	s6 =	smul.u32 $0x9C40, s10  }
0x7: {  	s26 =	sshll.u32 s10, $0x6;
	s5 =	sor.u32 s1, s4;
	s4 =	simm.s32 $0x0  }
0x8: {  	s1 =	ssub.s32 $0x2, s1;
	s30 =	sor.u32 $0x1C09, s26;
	s5 =	smul.u32 $0x2710, s5  }
0x9: {  	s26 =	simm.s32 $0x8;
	[smem:$0x7FF] =	sst s4;
	s8 =	sshrl.u32 s6, $0x3  }
0xa: {  	s9 =	sshrl.u32 s1, $0x1;
	s6 =	sadd.s32 s6, s3;
	s7 =	sshrl.u32 s5, $0x3  }
0xb: {  	_ =	strace $0x80000047;
	s7 =	sadd.s32 s7, s0;
	s0 =	sadd.s32 s8, s0  }
0xc: {  	s1 =	ssub.s32 s1, s9;
	[dreg:$0x5] =	wrdreg s30;
	s0 =	sadd.s32 $0x600, s0  }
0xd: {  	s11 =	sshrl.u32 s6, $0x3;
	s31 =	sadd.s32 $0x14000, s7;
	[dreg:$0x4] =	wrdreg s0  }
0xe: {  	v0 =	vlaneseq.u32;
	s10 =	smax.u32 s1, $0x1;
	s9 =	sadd.s32 $0x1DC40, s7;
	[dreg:$0x6] =	wrdreg s31  }
.LBB2_1:
0xf: {  	s0 =	rddreg [dreg:$0x4]  }
0x10: {  	s1 =	rddreg [dreg:$0x5]  }
0x11: {  	[spmem:s11], [sflag:s1] =	dma.local [hbm:s0], $0x1388  }
0x12: {  	_ =	swait.ge [sflag:s12], $0x1388  }
0x13: {  	[sflag:s12] =	ssyncset.done $0x0  }
0x14: {  	s8 =	rddreg [dreg:$0x6];
	[sflag:s12] =	ssyncadd.s32 $0xFFFFEC78  }
0x15: {  	[tilespmem:s4], [sflag:$0x9] =	stream.linear.gather [hbm4b:s8+s4], $0x2710, $0x38;
	[tilespmem:$0x18BA0] =	vst v63  }
0x16: {  	_ =	swait.ge [sflag:s12], $0x2710  }
0x17: {  	[sflag:s12] =	ssyncset.done $0x0  }
0x18: {  	s13 =	simm.s32 $0x2710;
	[sflag:s12] =	ssyncadd.s32 $0xFFFFD8F0  }
0x19: {  	[tilespmem:s13], [sflag:$0x9] =	stream.linear.gather [hbm4b:s9+s4], $0x2710, $0x38;
	[tilespmem:$0x18BA0] =	vst v63  }
0x1a: {  	_ =	swait.ge [sflag:s12], $0x2710  }
0x1b: {  	[sflag:s12] =	ssyncset.done $0x0  }
0x1c: {  	[sflag:s12] =	ssyncadd.s32 $0xFFFFD8F0  }
0x1d: {  	s15 =	simm.s32 $0x4E20;
	[bflag:$0x0] =	sbarrier.arrive $0xFFFF  }
0x1e: {  	[tilespmem:s15], [sflag:$0x1] =	stream.indirect.gather [spmem:s3], $0x40, s4, s14, $0xb8;
	[tilespmem:$0x18BA0] =	vst v63  }
0x1f: {  	s16 =	simm.s32 $0x9E20  }
0x20: {  	[tilespmem:s16], [sflag:$0x1] =	stream.indirect.gather [spmem:s3], $0x40, s13, s14, $0xb8;
	[tilespmem:$0x18BA0] =	vst v63  }
0x21: {  	s17 =	simm.s32 $0x6220  }
0x22: {  	[tilespmem:s17], [sflag:$0x2] =	stream.indirect.gather [spmem:s3], $0x40, s14, s14, $0xb8;
	[tilespmem:$0x18BA0] =	vst v63  }
0x23: {  	s18 =	simm.s32 $0x2760;
	s19 =	simm.s32 $0xB220  }
0x24: {  	[tilespmem:s19], [sflag:$0x2] =	stream.indirect.gather [spmem:s3], $0x40, s18, s14, $0xb8;
	[tilespmem:$0x18BA0] =	vst v63  }
0x25: {  	s20 =	simm.s32 $0xA0;
	s21 =	simm.s32 $0x7620;
	s22 =	simm.s32 $0x27B0  }
0x26: {  	[tilespmem:s21], [sflag:$0x3] =	stream.indirect.gather [spmem:s3], $0x40, s20, s14, $0xb8;
	[tilespmem:$0x18BA0] =	vst v63  }
0x27: {  	s23 =	simm.s32 $0xC620;
	s30 =	simm.s32 $0x0;
	s31 =	simm.s32 $0x0  }
0x28: {  	[tilespmem:s23], [sflag:$0x3] =	stream.indirect.gather [spmem:s3], $0x40, s22, s14, $0xb8;
	[tilespmem:$0x18BA0] =	vst v63  }
.LBB2_2:
0x29: {  	p0 =	sgt.u32 s31, $0x79  }
0x2a: {  	s0 =	sadd.s32 @!p0 $0x3, s31  }
0x2b: {  	s1 =	sand.u32 @!p0 $0x3, s0  }
0x2c: {  	s6 =	smul.u32 @!p0 $0x1400, s1  }
0x2d: {  	s15 =	simm.s32 @!p0 $0x50;
	s0 =	smul.u32 @!p0 $0x50, s0  }
0x2e: {  	s13 =	sadd.s32 @!p0 $0x1, s1;
	s1 =	sand.u32 $0x3, s31;
	s7 =	sadd.s32 @!p0 $0x4E20, s6  }
0x2f: {  	[tilespmem:s7], [sflag:s13] =	stream.indirect.gather @!p0 [spmem:s3], $0x40, s0, s15, $0xb8;
	[tilespmem:$0x18BA0] =	vst v63  }
0x30: {  	s20 =	sadd.s32 $0x1, s1;
	s6 =	sadd.s32 @!p0 $0x9E20, s6;
	s0 =	sadd.s32 @!p0 $0x2710, s0  }
0x31: {  	[tilespmem:s6], [sflag:s13] =	stream.indirect.gather @!p0 [spmem:s3], $0x40, s0, s15, $0xb8;
	[tilespmem:$0x18BA0] =	vst v63  }
0x32: {  	_ =	swait.ge [sflag:s20], $0x1400  }
0x33: {  	[sflag:s20] =	ssyncset.done $0x0  }
0x34: {  	[sflag:s20] =	ssyncadd.s32 $0xFFFFEC00  }
0x35: {  	_ =	swait.ge [sflag:s20], $0x1400  }
0x36: {  	s21 =	sand.u32 $0x3, s30;
	p0 =	slt.u32 s31, $0x4;
	[sflag:s20] =	ssyncset.done $0x0  }
0x37: {  	s6 =	smul.u32 $0x5000, s21;
	s0 =	sadd.s32 @!p0 $0x5, s1;
	[sflag:s20] =	ssyncadd.s32 $0xFFFFEC00  }
0x38: {  	_ =	swait.ge @!p0 [sflag:s0], $0x50  }
0x39: {  	s6 =	sshrl.u32 s6, $0x2;
	[sflag:s0] =	ssyncset.done @!p0 $0x0  }
0x3a: {  	s22 =	sadd.s32 $0x4E60, s6;
	[sflag:s0] =	ssyncadd.s32 @!p0 $0xFFFFFFB0  }
0x3b: {  	s23 =	sadd.s32 $0x9E60, s6;
	v2 =	vld [tilespmem:s22+$0x30]  }
0x3c: {  	v3 =	vld [tilespmem:s23+$0x30]  }
0x3d: {  	v4 =	vld [tilespmem:s22+$0xFFFFFFF0]  }
0x3e: {  	v5 =	vld [tilespmem:s23+$0xFFFFFFF0]  }
0x3f: {  	v7 =	vld [tilespmem:s22+$0x20]  }
0x40: {  	v8 =	vld [tilespmem:s23+$0x20]  }
0x41: {  	v9 =	vld [tilespmem:s22+$0xFFFFFFE0]  }
0x42: {  	v10 =	vld [tilespmem:s23+$0xFFFFFFE0]  }
0x43: {  	v11 =	vld [tilespmem:s22+$0x10]  }
0x44: {  	v12 =	vld [tilespmem:s23+$0x10]  }
0x45: {  	v1 =	vld [tilespmem:s22+$0x0]  }
0x46: {  	v13 =	vld [tilespmem:s23+$0x0]  }
0x47: {  	v14 =	vld [tilespmem:s22+$0xFFFFFFD0]  }
0x48: {  	v15 =	vld [tilespmem:s22+$0xFFFFFFC0]  }
0x49: {  	v16 =	vld [tilespmem:s23+$0xFFFFFFC0]  }
0x4a: {  	v17 =	vld [tilespmem:s23+$0xFFFFFFD0];
	_ =	sdelay $0x1  }
0x4b: {  	s0 =	sadd.s32 $0x80, s22;
	v13 =	vmul.bf16 v13, v1;
	v4 =	vmul.bf16 v5, v4  }
0x4c: {  	v6 =	vld [tilespmem:s0+$0x30];
	s23 =	sadd.s32 $0x80, s23;
	v18 =	vmul.bf16 v3, v2;
	v11 =	vmul.bf16 v12, v11  }
0x4d: {  	v1 =	vld [tilespmem:s23+$0x30];
	v12 =	vmul.bf16 v8, v7;
	v15 =	vmul.bf16 v16, v15  }
0x4e: {  	v2 =	vld [tilespmem:s0+$0xFFFFFFF0];
	v14 =	vmul.bf16 v17, v14;
	v16 =	vmul.bf16 v10, v9;
	v3 =	vshll.u32 v13, $0x10  }
0x4f: {  	v5 =	vld [tilespmem:s23+$0xFFFFFFF0];
	v7 =	vadd.f32 $0.0e+00, v13;
	v10 =	vshll.u32 v15, $0x10;
	v13 =	vadd.f32 $0.0e+00, v3  }
0x50: {  	v8 =	vld [tilespmem:s23+$0x20];
	v9 =	vshll.u32 v11, $0x10;
	v15 =	vadd.f32 $0.0e+00, v15;
	v17 =	vadd.f32 $0.0e+00, v10  }
0x51: {  	v19 =	vshll.u32 v14, $0x10;
	v3 =	vld [tilespmem:s0+$0x20];
	v11 =	vadd.f32 v11, v7;
	v13 =	vadd.f32 v9, v13  }
0x52: {  	v10 =	vshll.u32 v12, $0x10;
	v7 =	vld [tilespmem:s0+$0xFFFFFFE0];
	v14 =	vadd.f32 v14, v15;
	v15 =	vadd.f32 v19, v17  }
0x53: {  	v9 =	vld [tilespmem:s23+$0xFFFFFFE0];
	v12 =	vadd.f32 v12, v11;
	v13 =	vadd.f32 v10, v13  }
0x54: {  	v17 =	vshll.u32 v18, $0x10;
	v19 =	vshll.u32 v16, $0x10;
	v11 =	vld [tilespmem:s23+$0x10];
	v16 =	vadd.f32 v16, v14  }
0x55: {  	v14 =	vld [tilespmem:s23+$0x0];
	v12 =	vadd.f32 v18, v12;
	v17 =	vadd.f32 v17, v13  }
0x56: {  	v10 =	vld [tilespmem:s0+$0x10];
	v15 =	vadd.f32 v19, v15  }
0x57: {  	s7 =	simm.s32 $0x4;
	s13 =	simm.s32 $0x2;
	v18 =	vshll.u32 v4, $0x10;
	v13 =	vld [tilespmem:s0+$0x0];
	v17 =	vadd.f32 v17, v12  }
0x58: {  	s16 =	sadd.s32 $0x5E90, s6;
	s15 =	sadd.s32 $0xAE90, s6;
	s19 =	sadd.s32 $0x5A90, s6;
	v19 =	vadd.f32 v4, v16;
	v16 =	vld [tilespmem:s0+$0xFFFFFFC0];
	v15 =	vadd.f32 v18, v15  }
0x59: {  	s18 =	sadd.s32 $0xAA90, s6;
	s21 =	sadd.s32 $0xA690, s6;
	s17 =	sadd.s32 $0xA290, s6;
	v12 =	vld [tilespmem:s0+$0xFFFFFFD0];
	(xrf2) =	vadd.scan.msk.f32 $0xffff, v17  }
0x5a: {  	s20 =	sadd.s32 $0x5690, s6;
	s22 =	sadd.s32 $0x5290, s6;
	s6 =	simm.s32 $0x0;
	v4 =	vimm.f32 $0.0e+00;
	v15 =	vadd.f32 v15, v19;
	v17 =	vld [tilespmem:s23+$0xFFFFFFC0]  }
.LBB2_3:
0x5b: {  	p0 =	slt.u32 s7, $0xE;
	v18 =	vld [tilespmem:s23+$0xFFFFFFD0];
	s0 =	sadd.s32 $0x80, s0  }
0x5c: {  	s23 =	sadd.s32 $0x80, s23;
	v19 =	vld [tilespmem:s0+$0x30];
	v13 =	vmul.bf16 v14, v13;
	v14 =	vmov s6;
	(xrf2) =	vadd.scan.msk.f32 $0xffff, v15  }
0x5d: {  	v20 =	vmul.bf16 v1, v6;
	v15 =	vmul.bf16 v5, v2;
	v1 =	vld [tilespmem:s23+$0x30];
	vm0 =	veq.s32 v14, v0  }
0x5e: {  	v10 =	vmul.bf16 v11, v10;
	v11 =	vmul.bf16 v8, v3;
	v2 =	vld [tilespmem:s0+$0xFFFFFFF0];
	v6 =	vshll.u32 v13, $0x10  }
0x5f: {  	v13 =	vadd.f32 $0.0e+00, v13;
	v5 =	vld [tilespmem:s23+$0xFFFFFFF0];
	v14 =	vmul.bf16 v17, v16;
	v17 =	vadd.f32 $0.0e+00, v6  }
0x60: {  	v16 =	vmul.bf16 v9, v7;
	v7 =	vshll.u32 v10, $0x10;
	v3 =	vld [tilespmem:s0+$0x20];
	v12 =	vmul.bf16 v18, v12  }
0x61: {  	v10 =	vadd.f32 v10, v13;
	v8 =	vld [tilespmem:s23+$0x20];
	v9 =	vshll.u32 v14, $0x10;
	v13 =	vadd.f32 v7, v17;
	v6 =	vmovc v19  }
0x62: {  	v22 =	vshll.u32 v11, $0x10;
	v14 =	vadd.f32 $0.0e+00, v14;
	v7 =	vld [tilespmem:s0+$0xFFFFFFE0];
	v17 =	vadd.f32 $0.0e+00, v9  }
0x63: {  	v19 =	vshll.u32 v12, $0x10;
	v21 =	vadd.f32 v11, v10;
	v9 =	vld [tilespmem:s23+$0xFFFFFFE0];
	v13 =	vadd.f32 v22, v13;
	v18, _, _ =	vpop (xrf2)  }
0x64: {  	v22 =	vadd.f32 v12, v14;
	v10 =	vld [tilespmem:s0+$0x10];
	v14 =	vadd.f32 v19, v17;
	v17 =	vshll.u32 v20, $0x10  }
0x65: {  	s8 =	sadd.s32 $0x1, s6;
	s6 =	smov.u32 s13;
	s13 =	smov.u32 s7;
	v19 =	vshll.u32 v16, $0x10;
	v20 =	vadd.f32 v20, v21;
	v11 =	vld [tilespmem:s23+$0x10];
	v17 =	vadd.f32 v17, v13  }
.Ltmp0:
0x66: {  	v21 =	vmov s8;
	v16 =	vadd.f32 v16, v22;
	v13 =	vld [tilespmem:s0+$0x0];
	v19 =	vadd.f32 v19, v14;
	v12, _, _ =	vpop (xrf2);
	(pc) =	sbr.rel @p0 .LBB2_3-.Ltmp0, $4  }
0x67: {  	v22 =	vshll.u32 v15, $0x10;
	v14 =	vld [tilespmem:s23+$0x0];
	v17 =	vadd.f32 v17, v20;
	v20 =	vbroadcast v12, $0xF  }
0x68: {  	v18 =	vbroadcast v18, $0xF;
	v15 =	vadd.f32 v15, v16;
	v12 =	vld [tilespmem:s0+$0xFFFFFFD0];
	v19 =	vadd.f32 v22, v19  }
0x69: {  	v16 =	vld [tilespmem:s0+$0xFFFFFFC0];
	(xrf2) =	vadd.scan.msk.f32 $0xffff, v17;
	v4 =	vsel vm0, v20, v4;
	vm0 =	veq.s32 v21, v0  }
0x6a: {  	s7 =	sadd.s32 $0x2, s7;
	v17 =	vld [tilespmem:s23+$0xFFFFFFC0];
	v15 =	vadd.f32 v19, v15;
	v4 =	vsel vm0, v18, v4  }
0x6b: {  	_ = 	snop  }
0x6c: {  	v18 =	vld [tilespmem:s23+$0xFFFFFFD0]  }
0x6d: {  	v2 =	vmul.bf16 v5, v2;
	v1 =	vmul.bf16 v1, v6  }
0x6e: {  	v6 =	vmul.bf16 v11, v10;
	v13 =	vmul.bf16 v14, v13  }
0x6f: {  	v3 =	vmul.bf16 v8, v3;
	v10 =	vmul.bf16 v17, v16  }
0x70: {  	v7 =	vmul.bf16 v9, v7;
	v5 =	vshll.u32 v13, $0x10;
	v8 =	vadd.f32 $0.0e+00, v13  }
0x71: {  	v5 =	vadd.f32 $0.0e+00, v5;
	v11 =	vmul.bf16 v18, v12;
	v9 =	vshll.u32 v10, $0x10  }
0x72: {  	v12 =	vshll.u32 v6, $0x10;
	v10 =	vadd.f32 $0.0e+00, v10;
	v9 =	vadd.f32 $0.0e+00, v9  }
0x73: {  	v6 =	vadd.f32 v6, v8;
	v5 =	vadd.f32 v12, v5;
	v8 =	vshll.u32 v11, $0x10  }
0x74: {  	v12 =	vshll.u32 v3, $0x10;
	v10 =	vadd.f32 v11, v10;
	v8 =	vadd.f32 v8, v9  }
0x75: {  	v3 =	vadd.f32 v3, v6;
	v6 =	vshll.u32 v7, $0x10;
	v5 =	vadd.f32 v12, v5  }
0x76: {  	v9 =	vshll.u32 v1, $0x10;
	v7 =	vadd.f32 v7, v10;
	v6 =	vadd.f32 v6, v8  }
0x77: {  	v1 =	vadd.f32 v1, v3;
	v3 =	vadd.f32 v9, v5;
	v5 =	vshll.u32 v2, $0x10  }
0x78: {  	v2 =	vadd.f32 v2, v7;
	v5 =	vadd.f32 v5, v6  }
0x79: {  	(xrf2) =	vadd.scan.msk.f32 $0xffff, v15;
	v1 =	vadd.f32 v3, v1  }
0x7a: {  	v2 =	vadd.f32 v5, v2  }
0x7b: {  	(xrf2) =	vadd.scan.msk.f32 $0xffff, v1  }
0x7c: {  	(xrf2) =	vadd.scan.msk.f32 $0xffff, v2;
	_ =	sdelay $0x5  }
0x7d: {  	s0 =	sadd.s32 $0x1, s6;
	v3 =	vmov s6;
	v1, _, _ =	vpop (xrf2)  }
0x7e: {  	vm0 =	veq.s32 v3, v0;
	v3 =	vmov s0;
	v2, _, _ =	vpop (xrf2)  }
0x7f: {  	v2 =	vbroadcast v2, $0xF  }
0x80: {  	v1 =	vbroadcast v1, $0xF;
	v5, _, _ =	vpop (xrf2)  }
0x81: {  	vm13 =	veq.s32 v3, v0;
	v2 =	vsel vm0, v2, v4;
	v3, _, _ =	vpop (xrf2)  }
0x82: {  	v1 =	vsel vm13, v1, v2;
	v2 =	vmov s13;
	s13 =	sadd.s32 $0x1, s13;
	v3 =	vbroadcast v3, $0xF  }
0x83: {  	s23 =	smul.u32 $0x140, s1;
	vm14 =	veq.s32 v2, v0;
	v2 =	vmov s13;
	v4 =	vbroadcast v5, $0xF  }
0x84: {  	vm15 =	veq.s32 v2, v0;
	v1 =	vsel vm14, v3, v1  }
0x85: {  	s0 =	sshrl.u32 s23, $0x2;
	v1 =	vsel vm15, v4, v1  }
0x86: {  	[tilespmem:s0+$0xEE20] =	vst v1  }
0x87: {  	v2 =	vld [tilespmem:s22+$0x0]  }
0x88: {  	v3 =	vld [tilespmem:s17+$0x0]  }
0x89: {  	v4 =	vld [tilespmem:s22+$0xFFFFFFC0]  }
0x8a: {  	v5 =	vld [tilespmem:s17+$0xFFFFFFC0]  }
0x8b: {  	v7 =	vld [tilespmem:s22+$0xFFFFFFF0]  }
0x8c: {  	v8 =	vld [tilespmem:s17+$0xFFFFFFF0]  }
0x8d: {  	v9 =	vld [tilespmem:s22+$0xFFFFFFB0]  }
0x8e: {  	v11 =	vld [tilespmem:s22+$0xFFFFFFE0]  }
0x8f: {  	v12 =	vld [tilespmem:s17+$0xFFFFFFE0]  }
0x90: {  	v1 =	vld [tilespmem:s22+$0xFFFFFFD0]  }
0x91: {  	v13 =	vld [tilespmem:s17+$0xFFFFFFD0]  }
0x92: {  	v14 =	vld [tilespmem:s22+$0xFFFFFFA0]  }
0x93: {  	v15 =	vld [tilespmem:s22+$0xFFFFFF90]  }
0x94: {  	v16 =	vld [tilespmem:s17+$0xFFFFFF90]  }
0x95: {  	v17 =	vld [tilespmem:s17+$0xFFFFFFA0]  }
0x96: {  	v10 =	vld [tilespmem:s17+$0xFFFFFFB0]  }
0x97: {  	s22 =	sadd.s32 $0x80, s22;
	v13 =	vmul.bf16 v13, v1  }
0x98: {  	s23 =	sadd.s32 $0x80, s17;
	v6 =	vld [tilespmem:s22+$0x0];
	v18 =	vmul.bf16 v5, v4;
	v3 =	vmul.bf16 v3, v2  }
0x99: {  	v1 =	vld [tilespmem:s23+$0x0];
	v11 =	vmul.bf16 v12, v11;
	v12 =	vmul.bf16 v8, v7  }
0x9a: {  	v2 =	vld [tilespmem:s22+$0xFFFFFFC0];
	v15 =	vmul.bf16 v16, v15;
	v14 =	vmul.bf16 v17, v14;
	v4 =	vshll.u32 v13, $0x10  }
0x9b: {  	v5 =	vld [tilespmem:s23+$0xFFFFFFC0];
	v16 =	vmul.bf16 v10, v9;
	v7 =	vadd.f32 $0.0e+00, v13;
	v13 =	vadd.f32 $0.0e+00, v4  }
0x9c: {  	v8 =	vld [tilespmem:s23+$0xFFFFFFF0];
	v9 =	vshll.u32 v11, $0x10;
	v10 =	vshll.u32 v15, $0x10;
	v15 =	vadd.f32 $0.0e+00, v15  }
0x9d: {  	v19 =	vshll.u32 v14, $0x10;
	v4 =	vld [tilespmem:s22+$0xFFFFFFF0];
	v11 =	vadd.f32 v11, v7;
	v13 =	vadd.f32 v9, v13  }
0x9e: {  	v17 =	vadd.f32 $0.0e+00, v10;
	v10 =	vshll.u32 v12, $0x10;
	v7 =	vld [tilespmem:s22+$0xFFFFFFB0];
	v14 =	vadd.f32 v14, v15  }
0x9f: {  	v9 =	vld [tilespmem:s23+$0xFFFFFFB0];
	v12 =	vadd.f32 v12, v11;
	v13 =	vadd.f32 v10, v13  }
0xa0: {  	v15 =	vadd.f32 v19, v17;
	v17 =	vshll.u32 v3, $0x10;
	v11 =	vld [tilespmem:s23+$0xFFFFFFE0];
	v14 =	vadd.f32 v16, v14  }
0xa1: {  	v19 =	vshll.u32 v16, $0x10;
	v16 =	vld [tilespmem:s23+$0xFFFFFFD0];
	v3 =	vadd.f32 v3, v12;
	v12 =	vadd.f32 v17, v13  }
0xa2: {  	v10 =	vld [tilespmem:s22+$0xFFFFFFE0];
	v15 =	vadd.f32 v19, v15  }
0xa3: {  	v13 =	vld [tilespmem:s22+$0xFFFFFFD0];
	v17 =	vshll.u32 v18, $0x10;
	v19 =	vadd.f32 v12, v3  }
0xa4: {  	v14 =	vadd.f32 v18, v14;
	v18 =	vadd.f32 v17, v15;
	v15 =	vld [tilespmem:s22+$0xFFFFFF90]  }
0xa5: {  	s7 =	simm.s32 $0x4;
	v17 =	vld [tilespmem:s23+$0xFFFFFF90];
	(xrf2) =	vadd.scan.msk.f32 $0xffff, v19  }
0xa6: {  	s6 =	simm.s32 $0x0;
	s13 =	simm.s32 $0x2;
	s17 =	sadd.s32 $0xEE20, s0;
	v12 =	vld [tilespmem:s22+$0xFFFFFFA0];
	v3 =	vimm.f32 $0.0e+00;
	v14 =	vadd.f32 v18, v14  }
.LBB2_5:
0xa7: {  	p0 =	slt.u32 s7, $0xE;
	v18 =	vld [tilespmem:s23+$0xFFFFFFA0];
	s22 =	sadd.s32 $0x80, s22  }
0xa8: {  	s23 =	sadd.s32 $0x80, s23;
	v19 =	vld [tilespmem:s22+$0x0];
	v13 =	vmul.bf16 v16, v13;
	v16 =	vmov s6;
	(xrf2) =	vadd.scan.msk.f32 $0xffff, v14  }
0xa9: {  	v20 =	vmul.bf16 v1, v6;
	v14 =	vmul.bf16 v5, v2;
	v1 =	vld [tilespmem:s23+$0x0];
	vm0 =	veq.s32 v16, v0  }
0xaa: {  	v10 =	vmul.bf16 v11, v10;
	v11 =	vmul.bf16 v8, v4;
	v2 =	vld [tilespmem:s22+$0xFFFFFFC0];
	v6 =	vshll.u32 v13, $0x10  }
0xab: {  	v13 =	vadd.f32 $0.0e+00, v13;
	v5 =	vld [tilespmem:s23+$0xFFFFFFC0];
	v15 =	vmul.bf16 v17, v15;
	v17 =	vadd.f32 $0.0e+00, v6  }
0xac: {  	v16 =	vmul.bf16 v9, v7;
	v7 =	vshll.u32 v10, $0x10;
	v4 =	vld [tilespmem:s22+$0xFFFFFFF0];
	v12 =	vmul.bf16 v18, v12  }
0xad: {  	v10 =	vadd.f32 v10, v13;
	v8 =	vld [tilespmem:s23+$0xFFFFFFF0];
	v9 =	vshll.u32 v15, $0x10;
	v13 =	vadd.f32 v7, v17;
	v6 =	vmovc v19  }
0xae: {  	v22 =	vshll.u32 v11, $0x10;
	v15 =	vadd.f32 $0.0e+00, v15;
	v7 =	vld [tilespmem:s22+$0xFFFFFFB0];
	v17 =	vadd.f32 $0.0e+00, v9  }
0xaf: {  	v19 =	vshll.u32 v12, $0x10;
	v21 =	vadd.f32 v11, v10;
	v9 =	vld [tilespmem:s23+$0xFFFFFFB0];
	v13 =	vadd.f32 v22, v13;
	v18, _, _ =	vpop (xrf2)  }
0xb0: {  	v22 =	vadd.f32 v12, v15;
	v10 =	vld [tilespmem:s22+$0xFFFFFFE0];
	v15 =	vadd.f32 v19, v17;
	v17 =	vshll.u32 v20, $0x10  }
0xb1: {  	s8 =	sadd.s32 $0x1, s6;
	s6 =	smov.u32 s13;
	s13 =	smov.u32 s7;
	v19 =	vshll.u32 v16, $0x10;
	v20 =	vadd.f32 v20, v21;
	v11 =	vld [tilespmem:s23+$0xFFFFFFE0];
	v17 =	vadd.f32 v17, v13  }
.Ltmp1:
0xb2: {  	v21 =	vadd.f32 v16, v22;
	v13 =	vld [tilespmem:s22+$0xFFFFFFD0];
	v15 =	vadd.f32 v19, v15;
	v19 =	vmov s8;
	v12, _, _ =	vpop (xrf2);
	(pc) =	sbr.rel @p0 .LBB2_5-.Ltmp1, $4  }
0xb3: {  	v22 =	vshll.u32 v14, $0x10;
	v16 =	vld [tilespmem:s23+$0xFFFFFFD0];
	v17 =	vadd.f32 v17, v20;
	v20 =	vbroadcast v12, $0xF  }
0xb4: {  	v18 =	vbroadcast v18, $0xF;
	v14 =	vadd.f32 v14, v21;
	v12 =	vld [tilespmem:s22+$0xFFFFFFA0];
	v21 =	vadd.f32 v22, v15  }
0xb5: {  	v15 =	vld [tilespmem:s22+$0xFFFFFF90];
	(xrf2) =	vadd.scan.msk.f32 $0xffff, v17;
	v3 =	vsel vm0, v20, v3;
	vm0 =	veq.s32 v19, v0  }
0xb6: {  	s7 =	sadd.s32 $0x2, s7;
	v17 =	vld [tilespmem:s23+$0xFFFFFF90];
	v14 =	vadd.f32 v21, v14;
	v3 =	vsel vm0, v18, v3  }
0xb7: {  	_ = 	snop  }
0xb8: {  	v18 =	vld [tilespmem:s23+$0xFFFFFFA0]  }
0xb9: {  	v2 =	vmul.bf16 v5, v2;
	v1 =	vmul.bf16 v1, v6  }
0xba: {  	v6 =	vmul.bf16 v11, v10;
	v13 =	vmul.bf16 v16, v13  }
0xbb: {  	v4 =	vmul.bf16 v8, v4;
	v10 =	vmul.bf16 v17, v15  }
0xbc: {  	v7 =	vmul.bf16 v9, v7;
	v5 =	vshll.u32 v13, $0x10;
	v8 =	vadd.f32 $0.0e+00, v13  }
0xbd: {  	v5 =	vadd.f32 $0.0e+00, v5;
	v11 =	vmul.bf16 v18, v12;
	v9 =	vshll.u32 v10, $0x10  }
0xbe: {  	v12 =	vshll.u32 v6, $0x10;
	v10 =	vadd.f32 $0.0e+00, v10;
	v9 =	vadd.f32 $0.0e+00, v9  }
0xbf: {  	v6 =	vadd.f32 v6, v8;
	v5 =	vadd.f32 v12, v5;
	v8 =	vshll.u32 v11, $0x10  }
0xc0: {  	v12 =	vshll.u32 v4, $0x10;
	v10 =	vadd.f32 v11, v10;
	v8 =	vadd.f32 v8, v9  }
0xc1: {  	v4 =	vadd.f32 v4, v6;
	v6 =	vshll.u32 v7, $0x10;
	v5 =	vadd.f32 v12, v5  }
0xc2: {  	v9 =	vshll.u32 v1, $0x10;
	v7 =	vadd.f32 v7, v10;
	v6 =	vadd.f32 v6, v8  }
0xc3: {  	v1 =	vadd.f32 v1, v4;
	v4 =	vadd.f32 v9, v5;
	v5 =	vshll.u32 v2, $0x10  }
0xc4: {  	v2 =	vadd.f32 v2, v7;
	v5 =	vadd.f32 v5, v6  }
0xc5: {  	(xrf2) =	vadd.scan.msk.f32 $0xffff, v14;
	v1 =	vadd.f32 v4, v1  }
0xc6: {  	v2 =	vadd.f32 v5, v2  }
0xc7: {  	(xrf2) =	vadd.scan.msk.f32 $0xffff, v1  }
0xc8: {  	(xrf2) =	vadd.scan.msk.f32 $0xffff, v2;
	_ =	sdelay $0x5  }
0xc9: {  	v1, _, _ =	vpop (xrf2)  }
0xca: {  	v2, _, _ =	vpop (xrf2)  }
0xcb: {  	s22 =	sadd.s32 $0x1, s6;
	v4 =	vmov s6;
	v2 =	vbroadcast v2, $0xF  }
0xcc: {  	vm0 =	veq.s32 v4, v0;
	v4 =	vmov s22;
	v1 =	vbroadcast v1, $0xF;
	v5, _, _ =	vpop (xrf2)  }
0xcd: {  	vm13 =	veq.s32 v4, v0;
	v2 =	vsel vm0, v2, v3;
	v3, _, _ =	vpop (xrf2)  }
0xce: {  	s23 =	sadd.s32 $0x1, s13;
	v1 =	vsel vm13, v1, v2;
	v2 =	vmov s13;
	v3 =	vbroadcast v3, $0xF  }
0xcf: {  	vm14 =	veq.s32 v2, v0;
	v2 =	vmov s23;
	v4 =	vbroadcast v5, $0xF  }
0xd0: {  	vm15 =	veq.s32 v2, v0;
	v1 =	vsel vm14, v3, v1  }
0xd1: {  	v1 =	vsel vm15, v4, v1  }
0xd2: {  	[tilespmem:s0+$0xEE30] =	vst v1  }
0xd3: {  	v2 =	vld [tilespmem:s20+$0x0]  }
0xd4: {  	v3 =	vld [tilespmem:s21+$0x0]  }
0xd5: {  	v4 =	vld [tilespmem:s20+$0xFFFFFFC0]  }
0xd6: {  	v5 =	vld [tilespmem:s21+$0xFFFFFFC0]  }
0xd7: {  	v7 =	vld [tilespmem:s20+$0xFFFFFFF0]  }
0xd8: {  	v8 =	vld [tilespmem:s21+$0xFFFFFFF0]  }
0xd9: {  	v9 =	vld [tilespmem:s20+$0xFFFFFFB0]  }
0xda: {  	v11 =	vld [tilespmem:s20+$0xFFFFFFE0]  }
0xdb: {  	v12 =	vld [tilespmem:s21+$0xFFFFFFE0]  }
0xdc: {  	v1 =	vld [tilespmem:s20+$0xFFFFFFD0]  }
0xdd: {  	v13 =	vld [tilespmem:s21+$0xFFFFFFD0]  }
0xde: {  	v14 =	vld [tilespmem:s20+$0xFFFFFFA0]  }
0xdf: {  	v15 =	vld [tilespmem:s20+$0xFFFFFF90]  }
0xe0: {  	v16 =	vld [tilespmem:s21+$0xFFFFFF90]  }
0xe1: {  	v17 =	vld [tilespmem:s21+$0xFFFFFFA0]  }
0xe2: {  	v10 =	vld [tilespmem:s21+$0xFFFFFFB0]  }
0xe3: {  	s20 =	sadd.s32 $0x80, s20;
	v13 =	vmul.bf16 v13, v1  }
0xe4: {  	s21 =	sadd.s32 $0x80, s21;
	v6 =	vld [tilespmem:s20+$0x0];
	v18 =	vmul.bf16 v5, v4;
	v2 =	vmul.bf16 v3, v2  }
0xe5: {  	v1 =	vld [tilespmem:s21+$0x0];
	v11 =	vmul.bf16 v12, v11;
	v12 =	vmul.bf16 v8, v7  }
0xe6: {  	v3 =	vld [tilespmem:s20+$0xFFFFFFC0];
	v15 =	vmul.bf16 v16, v15;
	v14 =	vmul.bf16 v17, v14;
	v4 =	vshll.u32 v13, $0x10  }
0xe7: {  	v5 =	vld [tilespmem:s21+$0xFFFFFFC0];
	v16 =	vmul.bf16 v10, v9;
	v7 =	vadd.f32 $0.0e+00, v13;
	v13 =	vadd.f32 $0.0e+00, v4  }
0xe8: {  	v8 =	vld [tilespmem:s21+$0xFFFFFFF0];
	v9 =	vshll.u32 v11, $0x10;
	v10 =	vshll.u32 v15, $0x10;
	v15 =	vadd.f32 $0.0e+00, v15  }
0xe9: {  	v19 =	vshll.u32 v14, $0x10;
	v4 =	vld [tilespmem:s20+$0xFFFFFFF0];
	v11 =	vadd.f32 v11, v7;
	v13 =	vadd.f32 v9, v13  }
0xea: {  	v17 =	vadd.f32 $0.0e+00, v10;
	v10 =	vshll.u32 v12, $0x10;
	v7 =	vld [tilespmem:s20+$0xFFFFFFB0];
	v14 =	vadd.f32 v14, v15  }
0xeb: {  	v9 =	vld [tilespmem:s21+$0xFFFFFFB0];
	v12 =	vadd.f32 v12, v11;
	v13 =	vadd.f32 v10, v13  }
0xec: {  	v15 =	vadd.f32 v19, v17;
	v17 =	vshll.u32 v2, $0x10;
	v11 =	vld [tilespmem:s21+$0xFFFFFFE0];
	v14 =	vadd.f32 v16, v14  }
0xed: {  	v19 =	vshll.u32 v16, $0x10;
	v16 =	vld [tilespmem:s21+$0xFFFFFFD0];
	v2 =	vadd.f32 v2, v12;
	v12 =	vadd.f32 v17, v13  }
0xee: {  	v10 =	vld [tilespmem:s20+$0xFFFFFFE0];
	v15 =	vadd.f32 v19, v15  }
0xef: {  	v13 =	vld [tilespmem:s20+$0xFFFFFFD0];
	v17 =	vshll.u32 v18, $0x10;
	v19 =	vadd.f32 v12, v2  }
0xf0: {  	v14 =	vadd.f32 v18, v14;
	v18 =	vadd.f32 v17, v15;
	v15 =	vld [tilespmem:s20+$0xFFFFFF90]  }
0xf1: {  	v17 =	vld [tilespmem:s21+$0xFFFFFF90];
	(xrf2) =	vadd.scan.msk.f32 $0xffff, v19  }
0xf2: {  	s7 =	simm.s32 $0x4;
	s6 =	simm.s32 $0x0;
	s13 =	simm.s32 $0x2;
	v12 =	vld [tilespmem:s20+$0xFFFFFFA0];
	v2 =	vimm.f32 $0.0e+00;
	v14 =	vadd.f32 v18, v14  }
.LBB2_7:
0xf3: {  	p0 =	slt.u32 s7, $0xE;
	v18 =	vld [tilespmem:s21+$0xFFFFFFA0];
	s20 =	sadd.s32 $0x80, s20  }
0xf4: {  	s21 =	sadd.s32 $0x80, s21;
	v19 =	vld [tilespmem:s20+$0x0];
	v13 =	vmul.bf16 v16, v13;
	v16 =	vmov s6;
	(xrf2) =	vadd.scan.msk.f32 $0xffff, v14  }
0xf5: {  	v20 =	vmul.bf16 v1, v6;
	v14 =	vmul.bf16 v5, v3;
	v1 =	vld [tilespmem:s21+$0x0];
	vm0 =	veq.s32 v16, v0  }
0xf6: {  	v10 =	vmul.bf16 v11, v10;
	v11 =	vmul.bf16 v8, v4;
	v3 =	vld [tilespmem:s20+$0xFFFFFFC0];
	v6 =	vshll.u32 v13, $0x10  }
0xf7: {  	v13 =	vadd.f32 $0.0e+00, v13;
	v5 =	vld [tilespmem:s21+$0xFFFFFFC0];
	v15 =	vmul.bf16 v17, v15;
	v17 =	vadd.f32 $0.0e+00, v6  }
0xf8: {  	v16 =	vmul.bf16 v9, v7;
	v7 =	vshll.u32 v10, $0x10;
	v4 =	vld [tilespmem:s20+$0xFFFFFFF0];
	v12 =	vmul.bf16 v18, v12  }
0xf9: {  	v10 =	vadd.f32 v10, v13;
	v8 =	vld [tilespmem:s21+$0xFFFFFFF0];
	v9 =	vshll.u32 v15, $0x10;
	v13 =	vadd.f32 v7, v17;
	v6 =	vmovc v19  }
0xfa: {  	v22 =	vshll.u32 v11, $0x10;
	v15 =	vadd.f32 $0.0e+00, v15;
	v7 =	vld [tilespmem:s20+$0xFFFFFFB0];
	v17 =	vadd.f32 $0.0e+00, v9  }
0xfb: {  	v19 =	vshll.u32 v12, $0x10;
	v21 =	vadd.f32 v11, v10;
	v9 =	vld [tilespmem:s21+$0xFFFFFFB0];
	v13 =	vadd.f32 v22, v13;
	v18, _, _ =	vpop (xrf2)  }
0xfc: {  	v22 =	vadd.f32 v12, v15;
	v10 =	vld [tilespmem:s20+$0xFFFFFFE0];
	v15 =	vadd.f32 v19, v17;
	v17 =	vshll.u32 v20, $0x10  }
0xfd: {  	s8 =	sadd.s32 $0x1, s6;
	s6 =	smov.u32 s13;
	s13 =	smov.u32 s7;
	v19 =	vshll.u32 v16, $0x10;
	v20 =	vadd.f32 v20, v21;
	v11 =	vld [tilespmem:s21+$0xFFFFFFE0];
	v17 =	vadd.f32 v17, v13  }
.Ltmp2:
0xfe: {  	v21 =	vadd.f32 v16, v22;
	v13 =	vld [tilespmem:s20+$0xFFFFFFD0];
	v15 =	vadd.f32 v19, v15;
	v19 =	vmov s8;
	v12, _, _ =	vpop (xrf2);
	(pc) =	sbr.rel @p0 .LBB2_7-.Ltmp2, $4  }
0xff: {  	v22 =	vshll.u32 v14, $0x10;
	v16 =	vld [tilespmem:s21+$0xFFFFFFD0];
	v17 =	vadd.f32 v17, v20;
	v20 =	vbroadcast v12, $0xF  }
0x100: {  	v18 =	vbroadcast v18, $0xF;
	v14 =	vadd.f32 v14, v21;
	v12 =	vld [tilespmem:s20+$0xFFFFFFA0];
	v21 =	vadd.f32 v22, v15  }
0x101: {  	v15 =	vld [tilespmem:s20+$0xFFFFFF90];
	(xrf2) =	vadd.scan.msk.f32 $0xffff, v17;
	v2 =	vsel vm0, v20, v2;
	vm0 =	veq.s32 v19, v0  }
0x102: {  	s7 =	sadd.s32 $0x2, s7;
	v17 =	vld [tilespmem:s21+$0xFFFFFF90];
	v14 =	vadd.f32 v21, v14;
	v2 =	vsel vm0, v18, v2  }
0x103: {  	_ = 	snop  }
0x104: {  	v18 =	vld [tilespmem:s21+$0xFFFFFFA0]  }
0x105: {  	v3 =	vmul.bf16 v5, v3;
	v1 =	vmul.bf16 v1, v6  }
0x106: {  	v6 =	vmul.bf16 v11, v10;
	v13 =	vmul.bf16 v16, v13  }
0x107: {  	v4 =	vmul.bf16 v8, v4;
	v10 =	vmul.bf16 v17, v15  }
0x108: {  	v7 =	vmul.bf16 v9, v7;
	v5 =	vshll.u32 v13, $0x10;
	v8 =	vadd.f32 $0.0e+00, v13  }
0x109: {  	v5 =	vadd.f32 $0.0e+00, v5;
	v11 =	vmul.bf16 v18, v12;
	v9 =	vshll.u32 v10, $0x10  }
0x10a: {  	v12 =	vshll.u32 v6, $0x10;
	v10 =	vadd.f32 $0.0e+00, v10;
	v9 =	vadd.f32 $0.0e+00, v9  }
0x10b: {  	v6 =	vadd.f32 v6, v8;
	v5 =	vadd.f32 v12, v5;
	v8 =	vshll.u32 v11, $0x10  }
0x10c: {  	v12 =	vshll.u32 v4, $0x10;
	v10 =	vadd.f32 v11, v10;
	v8 =	vadd.f32 v8, v9  }
0x10d: {  	v4 =	vadd.f32 v4, v6;
	v6 =	vshll.u32 v7, $0x10;
	v5 =	vadd.f32 v12, v5  }
0x10e: {  	v9 =	vshll.u32 v1, $0x10;
	v7 =	vadd.f32 v7, v10;
	v6 =	vadd.f32 v6, v8  }
0x10f: {  	(xrf2) =	vadd.scan.msk.f32 $0xffff, v14;
	v1 =	vadd.f32 v1, v4;
	v4 =	vadd.f32 v9, v5;
	v5 =	vshll.u32 v3, $0x10  }
0x110: {  	v3 =	vadd.f32 v3, v7;
	v5 =	vadd.f32 v5, v6  }
0x111: {  	v1 =	vadd.f32 v4, v1  }
0x112: {  	v3 =	vadd.f32 v5, v3  }
0x113: {  	(xrf2) =	vadd.scan.msk.f32 $0xffff, v1  }
0x114: {  	(xrf2) =	vadd.scan.msk.f32 $0xffff, v3;
	_ =	sdelay $0x3  }
0x115: {  	v1, _, _ =	vpop (xrf2)  }
0x116: {  	v3, _, _ =	vpop (xrf2)  }
0x117: {  	v3 =	vbroadcast v3, $0xF;
	_ =	sdelay $0x1  }
0x118: {  	s22 =	sadd.s32 $0x1, s6;
	v4 =	vmov s6  }
0x119: {  	vm0 =	veq.s32 v4, v0;
	v4 =	vmov s22;
	v1 =	vbroadcast v1, $0xF;
	v5, _, _ =	vpop (xrf2)  }
0x11a: {  	vm13 =	veq.s32 v4, v0;
	v2 =	vsel vm0, v3, v2;
	v3, _, _ =	vpop (xrf2)  }
0x11b: {  	s23 =	sadd.s32 $0x1, s13;
	v1 =	vsel vm13, v1, v2;
	v2 =	vmov s13;
	v3 =	vbroadcast v3, $0xF  }
0x11c: {  	vm14 =	veq.s32 v2, v0;
	v2 =	vmov s23;
	v4 =	vbroadcast v5, $0xF  }
0x11d: {  	vm15 =	veq.s32 v2, v0;
	v1 =	vsel vm14, v3, v1  }
0x11e: {  	v1 =	vsel vm15, v4, v1  }
0x11f: {  	[tilespmem:s0+$0xEE40] =	vst v1  }
0x120: {  	v2 =	vld [tilespmem:s19+$0x0]  }
0x121: {  	v3 =	vld [tilespmem:s18+$0x0]  }
0x122: {  	v4 =	vld [tilespmem:s19+$0xFFFFFFC0]  }
0x123: {  	v5 =	vld [tilespmem:s18+$0xFFFFFFC0]  }
0x124: {  	v7 =	vld [tilespmem:s19+$0xFFFFFFF0]  }
0x125: {  	v8 =	vld [tilespmem:s18+$0xFFFFFFF0]  }
0x126: {  	v9 =	vld [tilespmem:s19+$0xFFFFFFB0]  }
0x127: {  	v11 =	vld [tilespmem:s19+$0xFFFFFFE0]  }
0x128: {  	v12 =	vld [tilespmem:s18+$0xFFFFFFE0]  }
0x129: {  	v1 =	vld [tilespmem:s19+$0xFFFFFFD0]  }
0x12a: {  	v13 =	vld [tilespmem:s18+$0xFFFFFFD0]  }
0x12b: {  	v14 =	vld [tilespmem:s19+$0xFFFFFFA0]  }
0x12c: {  	v15 =	vld [tilespmem:s19+$0xFFFFFF90]  }
0x12d: {  	v16 =	vld [tilespmem:s18+$0xFFFFFF90]  }
0x12e: {  	v17 =	vld [tilespmem:s18+$0xFFFFFFA0]  }
0x12f: {  	v10 =	vld [tilespmem:s18+$0xFFFFFFB0]  }
0x130: {  	s19 =	sadd.s32 $0x80, s19;
	v13 =	vmul.bf16 v13, v1  }
0x131: {  	s18 =	sadd.s32 $0x80, s18;
	v6 =	vld [tilespmem:s19+$0x0];
	v18 =	vmul.bf16 v5, v4;
	v2 =	vmul.bf16 v3, v2  }
0x132: {  	v1 =	vld [tilespmem:s18+$0x0];
	v11 =	vmul.bf16 v12, v11;
	v12 =	vmul.bf16 v8, v7  }
0x133: {  	v3 =	vld [tilespmem:s19+$0xFFFFFFC0];
	v15 =	vmul.bf16 v16, v15;
	v14 =	vmul.bf16 v17, v14;
	v4 =	vshll.u32 v13, $0x10  }
0x134: {  	v5 =	vld [tilespmem:s18+$0xFFFFFFC0];
	v16 =	vmul.bf16 v10, v9;
	v7 =	vadd.f32 $0.0e+00, v13;
	v13 =	vadd.f32 $0.0e+00, v4  }
0x135: {  	v8 =	vld [tilespmem:s18+$0xFFFFFFF0];
	v9 =	vshll.u32 v11, $0x10;
	v10 =	vshll.u32 v15, $0x10;
	v15 =	vadd.f32 $0.0e+00, v15  }
0x136: {  	v19 =	vshll.u32 v14, $0x10;
	v4 =	vld [tilespmem:s19+$0xFFFFFFF0];
	v11 =	vadd.f32 v11, v7;
	v13 =	vadd.f32 v9, v13  }
0x137: {  	v17 =	vadd.f32 $0.0e+00, v10;
	v10 =	vshll.u32 v12, $0x10;
	v7 =	vld [tilespmem:s19+$0xFFFFFFB0];
	v14 =	vadd.f32 v14, v15  }
0x138: {  	v9 =	vld [tilespmem:s18+$0xFFFFFFB0];
	v12 =	vadd.f32 v12, v11;
	v13 =	vadd.f32 v10, v13  }
0x139: {  	v15 =	vadd.f32 v19, v17;
	v17 =	vshll.u32 v2, $0x10;
	v11 =	vld [tilespmem:s18+$0xFFFFFFE0];
	v14 =	vadd.f32 v16, v14  }
0x13a: {  	v19 =	vshll.u32 v16, $0x10;
	v16 =	vld [tilespmem:s18+$0xFFFFFFD0];
	v2 =	vadd.f32 v2, v12;
	v12 =	vadd.f32 v17, v13  }
0x13b: {  	v10 =	vld [tilespmem:s19+$0xFFFFFFE0];
	v15 =	vadd.f32 v19, v15  }
0x13c: {  	v13 =	vld [tilespmem:s19+$0xFFFFFFD0];
	v17 =	vshll.u32 v18, $0x10;
	v19 =	vadd.f32 v12, v2  }
0x13d: {  	v14 =	vadd.f32 v18, v14;
	v18 =	vadd.f32 v17, v15;
	v15 =	vld [tilespmem:s19+$0xFFFFFF90]  }
0x13e: {  	v17 =	vld [tilespmem:s18+$0xFFFFFF90];
	(xrf2) =	vadd.scan.msk.f32 $0xffff, v19  }
0x13f: {  	s7 =	simm.s32 $0x4;
	s6 =	simm.s32 $0x0;
	s13 =	simm.s32 $0x2;
	v12 =	vld [tilespmem:s19+$0xFFFFFFA0];
	v2 =	vimm.f32 $0.0e+00;
	v14 =	vadd.f32 v18, v14  }
.LBB2_9:
0x140: {  	p0 =	slt.u32 s7, $0xE;
	v18 =	vld [tilespmem:s18+$0xFFFFFFA0];
	s19 =	sadd.s32 $0x80, s19  }
0x141: {  	s18 =	sadd.s32 $0x80, s18;
	v19 =	vld [tilespmem:s19+$0x0];
	v13 =	vmul.bf16 v16, v13;
	v16 =	vmov s6;
	(xrf2) =	vadd.scan.msk.f32 $0xffff, v14  }
0x142: {  	v20 =	vmul.bf16 v1, v6;
	v14 =	vmul.bf16 v5, v3;
	v1 =	vld [tilespmem:s18+$0x0];
	vm0 =	veq.s32 v16, v0  }
0x143: {  	v10 =	vmul.bf16 v11, v10;
	v11 =	vmul.bf16 v8, v4;
	v3 =	vld [tilespmem:s19+$0xFFFFFFC0];
	v6 =	vshll.u32 v13, $0x10  }
0x144: {  	v13 =	vadd.f32 $0.0e+00, v13;
	v5 =	vld [tilespmem:s18+$0xFFFFFFC0];
	v15 =	vmul.bf16 v17, v15;
	v17 =	vadd.f32 $0.0e+00, v6  }
0x145: {  	v16 =	vmul.bf16 v9, v7;
	v7 =	vshll.u32 v10, $0x10;
	v4 =	vld [tilespmem:s19+$0xFFFFFFF0];
	v12 =	vmul.bf16 v18, v12  }
0x146: {  	v10 =	vadd.f32 v10, v13;
	v8 =	vld [tilespmem:s18+$0xFFFFFFF0];
	v9 =	vshll.u32 v15, $0x10;
	v13 =	vadd.f32 v7, v17;
	v6 =	vmovc v19  }
0x147: {  	v22 =	vshll.u32 v11, $0x10;
	v15 =	vadd.f32 $0.0e+00, v15;
	v7 =	vld [tilespmem:s19+$0xFFFFFFB0];
	v17 =	vadd.f32 $0.0e+00, v9  }
0x148: {  	v19 =	vshll.u32 v12, $0x10;
	v21 =	vadd.f32 v11, v10;
	v9 =	vld [tilespmem:s18+$0xFFFFFFB0];
	v13 =	vadd.f32 v22, v13;
	v18, _, _ =	vpop (xrf2)  }
0x149: {  	v22 =	vadd.f32 v12, v15;
	v10 =	vld [tilespmem:s19+$0xFFFFFFE0];
	v15 =	vadd.f32 v19, v17;
	v17 =	vshll.u32 v20, $0x10  }
0x14a: {  	s8 =	sadd.s32 $0x1, s6;
	s6 =	smov.u32 s13;
	s13 =	smov.u32 s7;
	v19 =	vshll.u32 v16, $0x10;
	v20 =	vadd.f32 v20, v21;
	v11 =	vld [tilespmem:s18+$0xFFFFFFE0];
	v17 =	vadd.f32 v17, v13  }
.Ltmp3:
0x14b: {  	v21 =	vadd.f32 v16, v22;
	v13 =	vld [tilespmem:s19+$0xFFFFFFD0];
	v15 =	vadd.f32 v19, v15;
	v19 =	vmov s8;
	v12, _, _ =	vpop (xrf2);
	(pc) =	sbr.rel @p0 .LBB2_9-.Ltmp3, $4  }
0x14c: {  	v22 =	vshll.u32 v14, $0x10;
	v16 =	vld [tilespmem:s18+$0xFFFFFFD0];
	v17 =	vadd.f32 v17, v20;
	v20 =	vbroadcast v12, $0xF  }
0x14d: {  	v18 =	vbroadcast v18, $0xF;
	v14 =	vadd.f32 v14, v21;
	v12 =	vld [tilespmem:s19+$0xFFFFFFA0];
	v21 =	vadd.f32 v22, v15  }
0x14e: {  	v15 =	vld [tilespmem:s19+$0xFFFFFF90];
	(xrf2) =	vadd.scan.msk.f32 $0xffff, v17;
	v2 =	vsel vm0, v20, v2;
	vm0 =	veq.s32 v19, v0  }
0x14f: {  	s7 =	sadd.s32 $0x2, s7;
	v17 =	vld [tilespmem:s18+$0xFFFFFF90];
	v14 =	vadd.f32 v21, v14;
	v2 =	vsel vm0, v18, v2  }
0x150: {  	_ = 	snop  }
0x151: {  	v18 =	vld [tilespmem:s18+$0xFFFFFFA0]  }
0x152: {  	v3 =	vmul.bf16 v5, v3;
	v1 =	vmul.bf16 v1, v6  }
0x153: {  	v6 =	vmul.bf16 v11, v10;
	v13 =	vmul.bf16 v16, v13  }
0x154: {  	v4 =	vmul.bf16 v8, v4;
	v10 =	vmul.bf16 v17, v15  }
0x155: {  	v7 =	vmul.bf16 v9, v7;
	v5 =	vshll.u32 v13, $0x10;
	v8 =	vadd.f32 $0.0e+00, v13  }
0x156: {  	v5 =	vadd.f32 $0.0e+00, v5;
	v11 =	vmul.bf16 v18, v12;
	v9 =	vshll.u32 v10, $0x10  }
0x157: {  	v12 =	vshll.u32 v6, $0x10;
	v10 =	vadd.f32 $0.0e+00, v10;
	v9 =	vadd.f32 $0.0e+00, v9  }
0x158: {  	v6 =	vadd.f32 v6, v8;
	v5 =	vadd.f32 v12, v5;
	v8 =	vshll.u32 v11, $0x10  }
0x159: {  	v12 =	vshll.u32 v4, $0x10;
	v10 =	vadd.f32 v11, v10;
	v8 =	vadd.f32 v8, v9  }
0x15a: {  	v4 =	vadd.f32 v4, v6;
	v6 =	vshll.u32 v7, $0x10;
	v5 =	vadd.f32 v12, v5  }
0x15b: {  	v9 =	vshll.u32 v1, $0x10;
	v7 =	vadd.f32 v7, v10;
	v6 =	vadd.f32 v6, v8  }
0x15c: {  	(xrf2) =	vadd.scan.msk.f32 $0xffff, v14;
	v1 =	vadd.f32 v1, v4;
	v4 =	vadd.f32 v9, v5;
	v5 =	vshll.u32 v3, $0x10  }
0x15d: {  	v3 =	vadd.f32 v3, v7;
	v5 =	vadd.f32 v5, v6  }
0x15e: {  	v1 =	vadd.f32 v4, v1  }
0x15f: {  	v3 =	vadd.f32 v5, v3  }
0x160: {  	(xrf2) =	vadd.scan.msk.f32 $0xffff, v1  }
0x161: {  	(xrf2) =	vadd.scan.msk.f32 $0xffff, v3;
	_ =	sdelay $0x3  }
0x162: {  	v1, _, _ =	vpop (xrf2)  }
0x163: {  	v3, _, _ =	vpop (xrf2)  }
0x164: {  	v3 =	vbroadcast v3, $0xF;
	_ =	sdelay $0x1  }
0x165: {  	s22 =	sadd.s32 $0x1, s6;
	v4 =	vmov s6  }
0x166: {  	vm0 =	veq.s32 v4, v0;
	v4 =	vmov s22;
	v1 =	vbroadcast v1, $0xF;
	v5, _, _ =	vpop (xrf2)  }
0x167: {  	vm13 =	veq.s32 v4, v0;
	v2 =	vsel vm0, v3, v2;
	v3, _, _ =	vpop (xrf2)  }
0x168: {  	s23 =	sadd.s32 $0x1, s13;
	v1 =	vsel vm13, v1, v2;
	v2 =	vmov s13;
	v3 =	vbroadcast v3, $0xF  }
0x169: {  	vm14 =	veq.s32 v2, v0;
	v2 =	vmov s23;
	v4 =	vbroadcast v5, $0xF  }
0x16a: {  	vm15 =	veq.s32 v2, v0;
	v1 =	vsel vm14, v3, v1  }
0x16b: {  	v1 =	vsel vm15, v4, v1  }
0x16c: {  	[tilespmem:s0+$0xEE50] =	vst v1  }
0x16d: {  	v2 =	vld [tilespmem:s16+$0x0]  }
0x16e: {  	v3 =	vld [tilespmem:s15+$0x0]  }
0x16f: {  	v4 =	vld [tilespmem:s16+$0xFFFFFFC0]  }
0x170: {  	v5 =	vld [tilespmem:s15+$0xFFFFFFC0]  }
0x171: {  	v7 =	vld [tilespmem:s16+$0xFFFFFFF0]  }
0x172: {  	v8 =	vld [tilespmem:s15+$0xFFFFFFF0]  }
0x173: {  	v9 =	vld [tilespmem:s16+$0xFFFFFFB0]  }
0x174: {  	v11 =	vld [tilespmem:s16+$0xFFFFFFE0]  }
0x175: {  	v12 =	vld [tilespmem:s15+$0xFFFFFFE0]  }
0x176: {  	v1 =	vld [tilespmem:s16+$0xFFFFFFD0]  }
0x177: {  	v13 =	vld [tilespmem:s15+$0xFFFFFFD0]  }
0x178: {  	v14 =	vld [tilespmem:s16+$0xFFFFFFA0]  }
0x179: {  	v15 =	vld [tilespmem:s16+$0xFFFFFF90]  }
0x17a: {  	v16 =	vld [tilespmem:s15+$0xFFFFFF90]  }
0x17b: {  	v17 =	vld [tilespmem:s15+$0xFFFFFFA0]  }
0x17c: {  	v10 =	vld [tilespmem:s15+$0xFFFFFFB0]  }
0x17d: {  	s16 =	sadd.s32 $0x80, s16;
	v13 =	vmul.bf16 v13, v1  }
0x17e: {  	s15 =	sadd.s32 $0x80, s15;
	v6 =	vld [tilespmem:s16+$0x0];
	v18 =	vmul.bf16 v5, v4;
	v2 =	vmul.bf16 v3, v2  }
0x17f: {  	v1 =	vld [tilespmem:s15+$0x0];
	v11 =	vmul.bf16 v12, v11;
	v12 =	vmul.bf16 v8, v7  }
0x180: {  	v3 =	vld [tilespmem:s16+$0xFFFFFFC0];
	v15 =	vmul.bf16 v16, v15;
	v14 =	vmul.bf16 v17, v14;
	v4 =	vshll.u32 v13, $0x10  }
0x181: {  	v5 =	vld [tilespmem:s15+$0xFFFFFFC0];
	v16 =	vmul.bf16 v10, v9;
	v7 =	vadd.f32 $0.0e+00, v13;
	v13 =	vadd.f32 $0.0e+00, v4  }
0x182: {  	v8 =	vld [tilespmem:s15+$0xFFFFFFF0];
	v9 =	vshll.u32 v11, $0x10;
	v10 =	vshll.u32 v15, $0x10;
	v15 =	vadd.f32 $0.0e+00, v15  }
0x183: {  	v19 =	vshll.u32 v14, $0x10;
	v4 =	vld [tilespmem:s16+$0xFFFFFFF0];
	v11 =	vadd.f32 v11, v7;
	v13 =	vadd.f32 v9, v13  }
0x184: {  	v17 =	vadd.f32 $0.0e+00, v10;
	v10 =	vshll.u32 v12, $0x10;
	v7 =	vld [tilespmem:s16+$0xFFFFFFB0];
	v14 =	vadd.f32 v14, v15  }
0x185: {  	v9 =	vld [tilespmem:s15+$0xFFFFFFB0];
	v12 =	vadd.f32 v12, v11;
	v13 =	vadd.f32 v10, v13  }
0x186: {  	v15 =	vadd.f32 v19, v17;
	v17 =	vshll.u32 v2, $0x10;
	v11 =	vld [tilespmem:s15+$0xFFFFFFE0];
	v14 =	vadd.f32 v16, v14  }
0x187: {  	v19 =	vshll.u32 v16, $0x10;
	v16 =	vld [tilespmem:s15+$0xFFFFFFD0];
	v2 =	vadd.f32 v2, v12;
	v12 =	vadd.f32 v17, v13  }
0x188: {  	v10 =	vld [tilespmem:s16+$0xFFFFFFE0];
	v15 =	vadd.f32 v19, v15  }
0x189: {  	v13 =	vld [tilespmem:s16+$0xFFFFFFD0];
	v17 =	vshll.u32 v18, $0x10;
	v19 =	vadd.f32 v12, v2  }
0x18a: {  	v14 =	vadd.f32 v18, v14;
	v18 =	vadd.f32 v17, v15;
	v15 =	vld [tilespmem:s16+$0xFFFFFF90]  }
0x18b: {  	v17 =	vld [tilespmem:s15+$0xFFFFFF90];
	(xrf2) =	vadd.scan.msk.f32 $0xffff, v19  }
0x18c: {  	s7 =	simm.s32 $0x4;
	s6 =	simm.s32 $0x0;
	s13 =	simm.s32 $0x2;
	v12 =	vld [tilespmem:s16+$0xFFFFFFA0];
	v2 =	vimm.f32 $0.0e+00;
	v14 =	vadd.f32 v18, v14  }
.LBB2_11:
0x18d: {  	p0 =	slt.u32 s7, $0xE;
	v18 =	vld [tilespmem:s15+$0xFFFFFFA0];
	s16 =	sadd.s32 $0x80, s16  }
0x18e: {  	s15 =	sadd.s32 $0x80, s15;
	v19 =	vld [tilespmem:s16+$0x0];
	v13 =	vmul.bf16 v16, v13;
	v16 =	vmov s6;
	(xrf2) =	vadd.scan.msk.f32 $0xffff, v14  }
0x18f: {  	v20 =	vmul.bf16 v1, v6;
	v14 =	vmul.bf16 v5, v3;
	v1 =	vld [tilespmem:s15+$0x0];
	vm0 =	veq.s32 v16, v0  }
0x190: {  	v10 =	vmul.bf16 v11, v10;
	v11 =	vmul.bf16 v8, v4;
	v3 =	vld [tilespmem:s16+$0xFFFFFFC0];
	v6 =	vshll.u32 v13, $0x10  }
0x191: {  	v13 =	vadd.f32 $0.0e+00, v13;
	v5 =	vld [tilespmem:s15+$0xFFFFFFC0];
	v15 =	vmul.bf16 v17, v15;
	v17 =	vadd.f32 $0.0e+00, v6  }
0x192: {  	v16 =	vmul.bf16 v9, v7;
	v7 =	vshll.u32 v10, $0x10;
	v4 =	vld [tilespmem:s16+$0xFFFFFFF0];
	v12 =	vmul.bf16 v18, v12  }
0x193: {  	v10 =	vadd.f32 v10, v13;
	v8 =	vld [tilespmem:s15+$0xFFFFFFF0];
	v9 =	vshll.u32 v15, $0x10;
	v13 =	vadd.f32 v7, v17;
	v6 =	vmovc v19  }
0x194: {  	v22 =	vshll.u32 v11, $0x10;
	v15 =	vadd.f32 $0.0e+00, v15;
	v7 =	vld [tilespmem:s16+$0xFFFFFFB0];
	v17 =	vadd.f32 $0.0e+00, v9  }
0x195: {  	v19 =	vshll.u32 v12, $0x10;
	v21 =	vadd.f32 v11, v10;
	v9 =	vld [tilespmem:s15+$0xFFFFFFB0];
	v13 =	vadd.f32 v22, v13;
	v18, _, _ =	vpop (xrf2)  }
0x196: {  	v22 =	vadd.f32 v12, v15;
	v10 =	vld [tilespmem:s16+$0xFFFFFFE0];
	v15 =	vadd.f32 v19, v17;
	v17 =	vshll.u32 v20, $0x10  }
0x197: {  	s8 =	sadd.s32 $0x1, s6;
	s6 =	smov.u32 s13;
	s13 =	smov.u32 s7;
	v19 =	vshll.u32 v16, $0x10;
	v20 =	vadd.f32 v20, v21;
	v11 =	vld [tilespmem:s15+$0xFFFFFFE0];
	v17 =	vadd.f32 v17, v13  }
.Ltmp4:
0x198: {  	v21 =	vadd.f32 v16, v22;
	v13 =	vld [tilespmem:s16+$0xFFFFFFD0];
	v15 =	vadd.f32 v19, v15;
	v19 =	vmov s8;
	v12, _, _ =	vpop (xrf2);
	(pc) =	sbr.rel @p0 .LBB2_11-.Ltmp4, $4  }
0x199: {  	v22 =	vshll.u32 v14, $0x10;
	v16 =	vld [tilespmem:s15+$0xFFFFFFD0];
	v17 =	vadd.f32 v17, v20;
	v20 =	vbroadcast v12, $0xF  }
0x19a: {  	v18 =	vbroadcast v18, $0xF;
	v14 =	vadd.f32 v14, v21;
	v12 =	vld [tilespmem:s16+$0xFFFFFFA0];
	v21 =	vadd.f32 v22, v15  }
0x19b: {  	v15 =	vld [tilespmem:s16+$0xFFFFFF90];
	(xrf2) =	vadd.scan.msk.f32 $0xffff, v17;
	v2 =	vsel vm0, v20, v2;
	vm0 =	veq.s32 v19, v0  }
0x19c: {  	s7 =	sadd.s32 $0x2, s7;
	v17 =	vld [tilespmem:s15+$0xFFFFFF90];
	v14 =	vadd.f32 v21, v14;
	v2 =	vsel vm0, v18, v2  }
0x19d: {  	_ = 	snop  }
0x19e: {  	v18 =	vld [tilespmem:s15+$0xFFFFFFA0]  }
0x19f: {  	v3 =	vmul.bf16 v5, v3;
	v1 =	vmul.bf16 v1, v6  }
0x1a0: {  	v48 =	vmul.bf16 v11, v10;
	v13 =	vmul.bf16 v16, v13  }
0x1a1: {  	v4 =	vmul.bf16 v8, v4;
	v49 =	vmul.bf16 v17, v15  }
0x1a2: {  	v7 =	vmul.bf16 v9, v7;
	v47 =	vshll.u32 v13, $0x10;
	v50 =	vadd.f32 $0.0e+00, v13  }
0x1a3: {  	v5 =	vadd.f32 $0.0e+00, v47;
	v51 =	vmul.bf16 v18, v12;
	v52 =	vshll.u32 v49, $0x10  }
0x1a4: {  	v53 =	vshll.u32 v48, $0x10;
	v10 =	vadd.f32 $0.0e+00, v49;
	v9 =	vadd.f32 $0.0e+00, v52  }
0x1a5: {  	v6 =	vadd.f32 v48, v50;
	v5 =	vadd.f32 v53, v5;
	v54 =	vshll.u32 v51, $0x10  }
0x1a6: {  	v55 =	vshll.u32 v4, $0x10;
	v10 =	vadd.f32 v51, v10;
	v8 =	vadd.f32 v54, v9  }
0x1a7: {  	v56 =	vshll.u32 v7, $0x10;
	v4 =	vadd.f32 v4, v6;
	v5 =	vadd.f32 v55, v5  }
0x1a8: {  	v57 =	vshll.u32 v1, $0x10;
	v7 =	vadd.f32 v7, v10;
	v6 =	vadd.f32 v56, v8  }
0x1a9: {  	(xrf2) =	vadd.scan.msk.f32 $0xffff, v14;
	v59 =	vshll.u32 v3, $0x10;
	v1 =	vadd.f32 v1, v4;
	v58 =	vadd.f32 v57, v5  }
0x1aa: {  	v3 =	vadd.f32 v3, v7;
	v5 =	vadd.f32 v59, v6  }
0x1ab: {  	v1 =	vadd.f32 v58, v1  }
0x1ac: {  	v3 =	vadd.f32 v5, v3  }
0x1ad: {  	(xrf2) =	vadd.scan.msk.f32 $0xffff, v1  }
0x1ae: {  	(xrf2) =	vadd.scan.msk.f32 $0xffff, v3;
	_ =	sdelay $0x3  }
0x1af: {  	v1, _, _ =	vpop (xrf2)  }
0x1b0: {  	v3, _, _ =	vpop (xrf2)  }
0x1b1: {  	v3 =	vbroadcast v3, $0xF;
	_ =	sdelay $0x1  }
0x1b2: {  	v60 =	vmov s6;
	s19 =	sadd.s32 $0x1, s6  }
0x1b3: {  	vm0 =	veq.s32 v60, v0;
	v61 =	vmov s19;
	v1 =	vbroadcast v1, $0xF;
	v62, _, _ =	vpop (xrf2)  }
0x1b4: {  	s7 =	smul.u32 $0x50, s31;
	s31 =	sadd.s32 $0x1, s31;
	vm13 =	veq.s32 v61, v0;
	v2 =	vsel vm0, v3, v2;
	v3, _, _ =	vpop (xrf2)  }
0x1b5: {  	s20 =	sadd.s32 $0x1, s13;
	p0 =	sne.s32 s31, $0x7D;
	v1 =	vsel vm13, v1, v2;
	v2 =	vmov s13;
	v3 =	vbroadcast v3, $0xF  }
.Ltmp5:
0x1b6: {  	vm14 =	veq.s32 v2, v0;
	v2 =	vmov s20;
	v63 =	vbroadcast v62, $0xF;
	(pc) =	sbr.rel @p0 .LBB2_2-.Ltmp5, $4  }
0x1b7: {  	s21 =	sadd.s32 s5, s7;
	vm15 =	veq.s32 v2, v0;
	v1 =	vsel vm14, v3, v1  }
0x1b8: {  	s6 =	sshrl.u32 s21, $0x3;
	v1 =	vsel vm15, v63, v1  }
0x1b9: {  	s22 =	sadd.s32 $0x5, s1;
	s30 =	sadd.s32 $0x1, s30;
	s23 =	sadd.s32 s2, s6;
	[tilespmem:s0+$0xEE60] =	vst v1  }
0x1ba: {  	[hbm4b:s23+s4] =	stream.linear.scatter [tilespmem:s17], [sflag:s22], $0x50, $0x38;
	[tilespmem:$0x18BA0] =	vst v63  }
0x1bb: {  	_ =	swait.ge [sflag:s24], $0x50  }
0x1bc: {  	[sflag:s24] =	ssyncset.done $0x0  }
0x1bd: {  	[sflag:s24] =	ssyncadd.s32 $0xFFFFFFB0  }
0x1be: {  	_ =	swait.ge [sflag:s25], $0x50  }
0x1bf: {  	[sflag:s25] =	ssyncset.done $0x0  }
0x1c0: {  	s29 =	sadd.s32 $0x1, s29;
	[sflag:s25] =	ssyncadd.s32 $0xFFFFFFB0  }
0x1c1: {  	p0 =	sne.s32 s29, s10;
	_ =	swait.ge [sflag:s26], $0x50  }
.Ltmp6:
0x1c2: {  	[sflag:s26] =	ssyncset.done $0x0;
	(pc) =	sbr.rel @p0 .LBB2_1-.Ltmp6, $4  }
0x1c3: {  	[sflag:s26] =	ssyncadd.s32 $0xFFFFFFB0  }
0x1c4: {  	_ =	swait.ge [sflag:s28], $0x50  }
0x1c5: {  	[sflag:s28] =	ssyncset.done $0x0  }
0x1c6: {  	[sflag:s28] =	ssyncadd.s32 $0xFFFFFFB0  }
0x1c7: {  	_ =	sfence.sel $0x180000  }
0x1c8: {  	[bflag:$0x0] =	sbarrier.arrive $0xFFFF  }
0x1c9: {  	_ =	strace $0x90000047  }
0x1ca: {  	s0 =	stileid.u32;
	[bflag:$0x2] =	sbarrier.arrive $0xFFFF  }
0x1cb: {  	p0 =	sne.s32 s0, $0x0;
	s0 =	rddreg [dreg:$0x3]  }
0x1cc: {  	s0 =	sadd.s32 @!p0 $0x100000, s0  }
0x1cd: {  	[sflag:s0] =	ssyncadd.tile.s32 @!p0 $0x1;
	_ =	shalt  }
.Lfunc_end2:
_tile_overlayer_lowered:
.L_overlay_start_2:
0x1ce: {  	(tag) =	ssettag $0x2  }
0x1cf: {  	s0 =	rddreg [dreg:$0x0];
	s2 =	stileid.u32  }
0x1d0: {  	s1 =	rddreg [dreg:$0x1];
	p0 =	sne.s32 s2, $0x0  }
0x1d1: {  	s3 =	rddreg [dreg:$0x2];
	[bflag:$0x3] =	sbarrier.arrive $0xFFFF;
	s2 =	simm.s32 @!p0 $0x1C09  }
0x1d2: {  	[timem:s3], [sflag:s2] =	dma.local @!p0 [hbm:s0], s1  }
0x1d3: {  	s0 =	simm.s32 @!p0 $0x9  }
0x1d4: {  	_ =	swait.ge @!p0 [sflag:s0], s1  }
0x1d5: {  	s1 =	ssub.s32 @!p0 $0x0, s1;
	[sflag:s0] =	ssyncset.done @!p0 $0x0  }
0x1d6: {  	[sflag:s0] =	ssyncadd.s32 @!p0 s1  }
0x1d7: {  	[bflag:$0x3] =	sbarrier.arrive $0xFFFF  }
0x1d8: {  	_ =	shalt  }

</sc_bundles>
